<compile_context>
chip_gen: v7x
topology: tpu7x:2x2x1
jax: 0.10.2.dev20260603
libtpu: 0.0.44.dev20260713+nightly
codegen_flags: <defaults>
</compile_context>

<pallas_src>
import functools

import jax
import jax.numpy as jnp
from jax import lax
from jax.experimental import pallas as pl
from jax.experimental.pallas import tpu as pltpu
from jax.experimental.pallas import tpu_sc as plsc

N_NODES = 50000
B = 8192
K = 10
MSG = 64
MEM = 64
DEP = 2
PW = 2 * MSG

NC = 2
NS = 16
NW = NC * NS
BPW = B // NW
CH = 64
NCH = BPW // CH

_NB = B // 16


_LB = 25088
_NLB = 2


def _tc_pool_body(om, w1, b1, p_out):
    k = pl.program_id(2)
    x = om[...]
    h = jnp.dot(w1[0], x, preferred_element_type=jnp.float32) + b1[0]
    h = jnp.maximum(h, 0.0)

    @pl.when(k == 0)
    def _init():
        p_out[...] = h[None]

    @pl.when(k > 0)
    def _acc():
        p_out[...] = jnp.maximum(p_out[...], h[None])


_tc_pool = pl.pallas_call(
    _tc_pool_body,
    grid=(DEP, _NLB, K),
    in_specs=[
        pl.BlockSpec((MSG, _LB), lambda d, l, k: (d * K + k, l)),
        pl.BlockSpec((1, MSG, MSG), lambda d, l, k: (d, 0, 0)),
        pl.BlockSpec((1, MSG, 1), lambda d, l, k: (d, 0, 0)),
    ],
    out_specs=pl.BlockSpec((1, MSG, _LB), lambda d, l, k: (d, 0, l)),
    out_shape=jax.ShapeDtypeStruct((DEP, MSG, N_NODES), jnp.float32),
)


@functools.cache
def _build_sc_winner():
    mesh = plsc.VectorSubcoreMesh(core_axis_name="c", subcore_axis_name="s")

    @functools.partial(
        pl.kernel,
        out_type=jax.ShapeDtypeStruct((B,), jnp.int32),
        mesh=mesh,
        compiler_params=pltpu.CompilerParams(needs_layout_passes=False),
        scratch_types=[
            pltpu.VMEM((N_NODES,), jnp.int32),
            pltpu.VMEM((B,), jnp.int32),
            pltpu.VMEM((B,), jnp.int32),
        ],
    )
    def _sc_winner(ids, w_out, pos_v, ids_v, w_v):
        wid = lax.axis_index("s") * NC + lax.axis_index("c")

        @pl.when(wid == 0)
        def _winner():
            pltpu.sync_copy(ids, ids_v)

            def pass1(jj, _):
                idxv = ids_v[pl.ds(jj * 16, 16)]
                bvec = lax.broadcasted_iota(jnp.int32, (16,), 0) + jj * 16
                plsc.store_scatter(pos_v, [idxv], bvec)
                return 0
            lax.fori_loop(0, _NB, pass1, 0, unroll=4)

            def fix_round(_):
                def body(jj, changed):
                    idxv = ids_v[pl.ds(jj * 16, 16)]
                    bvec = (lax.broadcasted_iota(jnp.int32, (16,), 0)
                            + jj * 16)
                    cur = plsc.load_gather(pos_v, [idxv])
                    m = bvec > cur
                    plsc.store_scatter(pos_v, [idxv], bvec, mask=m)
                    return changed | jnp.where(m, 1, 0)
                ch = lax.fori_loop(0, _NB, body, jnp.zeros((16,), jnp.int32))
                return jnp.max(ch)

            lax.while_loop(lambda c: c > 0, fix_round, jnp.int32(1))

            def final(jj, _):
                idxv = ids_v[pl.ds(jj * 16, 16)]
                w_v[pl.ds(jj * 16, 16)] = plsc.load_gather(pos_v, [idxv])
                return 0
            lax.fori_loop(0, _NB, final, 0, unroll=4)
            pltpu.sync_copy(w_v, w_out)

    return _sc_winner


@functools.cache
def _build_sc_gather():
    mesh = plsc.VectorSubcoreMesh(core_axis_name="c", subcore_axis_name="s")

    @functools.partial(
        pl.kernel,
        out_type=[
            jax.ShapeDtypeStruct((B, PW), jnp.float32),
            jax.ShapeDtypeStruct((B, PW), jnp.float32),
        ],
        mesh=mesh,
        compiler_params=pltpu.CompilerParams(needs_layout_passes=False),
        scratch_types=[
            pltpu.VMEM((CH,), jnp.int32),
            pltpu.VMEM((CH, PW), jnp.float32),
            pltpu.VMEM((CH, PW), jnp.float32),
            pltpu.SemaphoreType.DMA,
            pltpu.SemaphoreType.DMA,
        ],
    )
    def _sc_gather(p_tab, m_tab, ids, gp_out, gh_out,
                   idxc, bufp, bufh, s0, s1):
        wid = lax.axis_index("s") * NC + lax.axis_index("c")
        for c in range(NCH):
            base = pl.multiple_of(wid * BPW + c * CH, CH)
            pltpu.sync_copy(ids.at[pl.ds(base, CH)], idxc)
            cp0 = pltpu.async_copy(p_tab.at[idxc], bufp, s0)
            cp1 = pltpu.async_copy(m_tab.at[idxc], bufh, s1)
            cp0.wait()
            cp1.wait()
            pltpu.sync_copy(bufp, gp_out.at[pl.ds(base, CH)])
            pltpu.sync_copy(bufh, gh_out.at[pl.ds(base, CH)])

    return _sc_gather


_BB = 1024
_GRID = B // _BB


def _tc_dense_body(gp, gh, um, fc2t0, b20, fc2t1, b21, wih, bih, whh, bhh,
                   hn_out):
    pre = um[...]
    for d, (fc2t, b2) in enumerate(((fc2t0, b20), (fc2t1, b21))):
        pooled = gp[:, d * MSG:(d + 1) * MSG]
        cat = jnp.concatenate([pre, pooled], axis=1)
        pre = jnp.dot(cat, fc2t[...],
                      preferred_element_type=jnp.float32) + b2[...]
    h = gh[:, 0:MEM]
    gi = jnp.dot(pre, wih[...], preferred_element_type=jnp.float32) + bih[...]
    gh_ = jnp.dot(h, whh[...], preferred_element_type=jnp.float32) + bhh[...]
    r = jax.nn.sigmoid(gi[:, 0:MEM] + gh_[:, 0:MEM])
    z = jax.nn.sigmoid(gi[:, MEM:2 * MEM] + gh_[:, MEM:2 * MEM])
    n = jnp.tanh(gi[:, 2 * MEM:3 * MEM] + r * gh_[:, 2 * MEM:3 * MEM])
    hn = (1.0 - z) * n + z * h
    hn_out[...] = jnp.concatenate(
        [hn, jnp.zeros((_BB, PW - MEM), jnp.float32)], axis=1)


_tc_dense = pl.pallas_call(
    _tc_dense_body,
    grid=(_GRID,),
    in_specs=[
        pl.BlockSpec((_BB, PW), lambda i: (i, 0)),
        pl.BlockSpec((_BB, PW), lambda i: (i, 0)),
        pl.BlockSpec((_BB, MSG), lambda i: (i, 0)),
        pl.BlockSpec((2 * MSG, MSG), lambda i: (0, 0)),
        pl.BlockSpec((1, MSG), lambda i: (0, 0)),
        pl.BlockSpec((2 * MSG, MSG), lambda i: (0, 0)),
        pl.BlockSpec((1, MSG), lambda i: (0, 0)),
        pl.BlockSpec((MSG, 3 * MEM), lambda i: (0, 0)),
        pl.BlockSpec((1, 3 * MEM), lambda i: (0, 0)),
        pl.BlockSpec((MEM, 3 * MEM), lambda i: (0, 0)),
        pl.BlockSpec((1, 3 * MEM), lambda i: (0, 0)),
    ],
    out_specs=pl.BlockSpec((_BB, PW), lambda i: (i, 0)),
    out_shape=jax.ShapeDtypeStruct((B, PW), jnp.float32),
)


_SCH = 128
_SNCH = BPW // _SCH


@functools.cache
def _build_sc_scatter():
    mesh = plsc.VectorSubcoreMesh(core_axis_name="c", subcore_axis_name="s")

    @functools.partial(
        pl.kernel,
        out_type=(),
        mesh=mesh,
        scratch_types=[
            pltpu.VMEM((_SCH,), jnp.int32),
            pltpu.VMEM((_SCH,), jnp.int32),
            pltpu.VMEM((_SCH, PW), jnp.float32),
            pltpu.SemaphoreType.DMA,
        ],
    )
    def _sc_scatter(hn, wids, ids, out_ref, iv, wv, buf, s0):
        wid = lax.axis_index("s") * NC + lax.axis_index("c")
        for c in range(_SNCH):
            base = pl.multiple_of(wid * BPW + c * _SCH, _SCH)
            pltpu.sync_copy(wids.at[pl.ds(base, _SCH)], wv)
            pltpu.sync_copy(ids.at[pl.ds(base, _SCH)], iv)
            pltpu.async_copy(hn.at[wv], buf, s0).wait()
            pltpu.async_copy(buf, out_ref.at[iv], s0).wait()

    return _sc_scatter


def kernel(unique_messages, other_message, memory, fc1_w, fc1_b, fc2_w, fc2_b,
           W_ih, W_hh, b_ih, b_hh, unique_node_ids):
    ids = unique_node_ids
    om_t = other_message.transpose(0, 2, 3, 1).reshape(DEP * K * MSG, N_NODES)

    w = _build_sc_winner()(ids)
    p = _tc_pool(om_t, fc1_w, fc1_b.reshape(DEP, MSG, 1))
    p, w = lax.optimization_barrier((p, w))
    p_node = p.reshape(DEP * MSG, N_NODES).T
    mem_p = jnp.pad(memory, ((0, 0), (0, PW - MEM)))

    gp, gh = _build_sc_gather()(p_node, mem_p, ids)

    hn = _tc_dense(
        gp, gh, unique_messages,
        fc2_w[0].T, fc2_b[0].reshape(1, MSG),
        fc2_w[1].T, fc2_b[1].reshape(1, MSG),
        W_ih.T, b_ih.reshape(1, 3 * MEM),
        W_hh.T, b_hh.reshape(1, 3 * MEM),
    )

    out_ref = jax.new_ref(mem_p)
    _build_sc_scatter()(hn, w, ids, out_ref)
    return out_ref[...][:, :MEM]

# --- scband reference (transcript-rebuilt; emitter-appended) ---
"""Pipeline reference for scband-sequence-memory-updater-58033598104188 (READ-ONLY COPY).

The authoritative reference and input builder live on the scoring server;
editing this copy changes nothing except your own understanding.
"""

import jax, jax.numpy as jnp
import numpy as np

N_NODES = 50000
B = 8192
K = 10
MSG = 64
MEM = 64
DEP = 2


def setup_inputs(seed: int = 0) -> dict:
    key = jax.random.key(seed)
    ks = jax.random.split(key, 12)
    unique_node_ids = jax.random.randint(ks[0], (B,), 0, N_NODES, dtype=jnp.int32)
    unique_messages = jax.random.normal(ks[1], (B, MSG), dtype=jnp.float32)
    other_message = jax.random.normal(ks[2], (DEP, N_NODES, K, MSG), dtype=jnp.float32)
    memory = jax.random.normal(ks[3], (N_NODES, MEM), dtype=jnp.float32)
    fc1_w = jax.random.normal(ks[4], (DEP, MSG, MSG), dtype=jnp.float32) * (1.0 / np.sqrt(MSG))
    fc1_b = jnp.zeros((DEP, MSG), dtype=jnp.float32)
    fc2_w = jax.random.normal(ks[5], (DEP, MSG, 2 * MSG), dtype=jnp.float32) * (1.0 / np.sqrt(2 * MSG))
    fc2_b = jnp.zeros((DEP, MSG), dtype=jnp.float32)
    W_ih = jax.random.normal(ks[6], (3 * MEM, MSG), dtype=jnp.float32) * (1.0 / np.sqrt(MSG))
    W_hh = jax.random.normal(ks[7], (3 * MEM, MEM), dtype=jnp.float32) * (1.0 / np.sqrt(MEM))
    b_ih = jnp.zeros((3 * MEM,), dtype=jnp.float32)
    b_hh = jnp.zeros((3 * MEM,), dtype=jnp.float32)
    return {
        "unique_messages": unique_messages,
        "other_message": other_message,
        "memory": memory,
        "fc1_w": fc1_w,
        "fc1_b": fc1_b,
        "fc2_w": fc2_w,
        "fc2_b": fc2_b,
        "W_ih": W_ih,
        "W_hh": W_hh,
        "b_ih": b_ih,
        "b_hh": b_hh,
        "unique_node_ids": unique_node_ids,
    }


def reference(unique_messages, other_message, memory, fc1_w, fc1_b, fc2_w, fc2_b, W_ih, W_hh, b_ih, b_hh, unique_node_ids):
    # message-passing refinement over passing_dep levels
    pre = unique_messages
    for i in range(DEP):
        gathered = jnp.take(other_message[i], unique_node_ids, axis=0)  # [B, K, MSG]
        h1 = jnp.einsum('bkm,nm->bkn', gathered, fc1_w[i]) + fc1_b[i]
        pooled = jnp.max(jax.nn.relu(h1), axis=-2)  # [B, MSG]
        cat = jnp.concatenate([pre, pooled], axis=1)  # [B, 2*MSG]
        pre = cat @ fc2_w[i].T + fc2_b[i]
    msgs = pre
    # GRUCell memory updater (torch gate order: r, z, n)
    h = jnp.take(memory, unique_node_ids, axis=0)  # [B, MEM]
    gi = msgs @ W_ih.T + b_ih
    gh = h @ W_hh.T + b_hh
    i_r, i_z, i_n = jnp.split(gi, 3, axis=1)
    h_r, h_z, h_n = jnp.split(gh, 3, axis=1)
    r = jax.nn.sigmoid(i_r + h_r)
    z = jax.nn.sigmoid(i_z + h_z)
    n = jnp.tanh(i_n + r * h_n)
    h_new = (1.0 - z) * n + z * h
    # scatter-overwrite into memory bank
    updated_memory = memory.at[unique_node_ids].set(h_new)
    return updated_memory

if __name__ == "__main__":
    import jax
    _d = setup_inputs()
    print(jax.jit(kernel)(*tuple(_d.values())))

</pallas_src>

<mosaic_0001>
#map = affine_map<(d0, d1) -> (0, 0)>
#map1 = affine_map<(d0, d1) -> (0)>
module attributes {stable_mosaic.version = 14 : i64} {
  func.func @_sc_gather(%arg0: i32, %arg1: i32, %arg2: memref<50000x128xf32, #tpu.memory_space<hbm>>, %arg3: memref<50000x128xf32, #tpu.memory_space<hbm>>, %arg4: memref<8192xi32, #tpu.memory_space<hbm>>, %arg5: memref<8192x128xf32, #tpu.memory_space<hbm>>, %arg6: memref<8192x128xf32, #tpu.memory_space<hbm>>, %arg7: memref<64xi32, #tpu.memory_space<vmem>>, %arg8: memref<64x128xf32, #tpu.memory_space<vmem>>, %arg9: memref<64x128xf32, #tpu.memory_space<vmem>>, %arg10: memref<!tpu.dma_semaphore, #tpu.memory_space<semaphore_mem>>, %arg11: memref<!tpu.dma_semaphore, #tpu.memory_space<semaphore_mem>>) attributes {dimension_semantics = [#tpu.dimension_semantics<core_parallel>, #tpu.dimension_semantics<subcore_parallel>], iteration_bounds = array<i64: 2, 16>, scalar_prefetch = 0 : i64, scratch_operands = 5 : i64, tpu.core_type = #tpu.core_type<sc_vector_subcore>, window_params = [{transform_indices = #map}, {transform_indices = #map}, {transform_indices = #map1}, {transform_indices = #map}, {transform_indices = #map}]} {
    %mul3A = arith.constant 2 : i32
    %mul3A_0 = arith.muli %arg1, %mul3A : i32
    %add3A = arith.addi %mul3A_0, %arg0 : i32
    %mul3A_1 = arith.constant 256 : i32
    %mul3A_2 = arith.muli %add3A, %mul3A_1 : i32
    %add3A_3 = arith.constant 0 : i32
    %add3A_4 = arith.addi %mul3A_2, %add3A_3 : i32
    %multiple_of3A = tpu.assume_multiple %add3A_4, 64 : i32
    "tpu.region"() ({
      %run_scoped3A = tpu.sem_alloc : memref<!tpu.dma_semaphore, #tpu.memory_space<semaphore_mem>>
      %dma_start3A_66 = tpu.memref_slice %arg4[%multiple_of3A] : memref<8192xi32, #tpu.memory_space<hbm>> -> memref<64xi32, #tpu.memory_space<hbm>>
      %dma_start3A_67 = tpu.memref_slice %arg4[%multiple_of3A] : memref<8192xi32, #tpu.memory_space<hbm>> -> memref<64xi32, #tpu.memory_space<hbm>>
      tpu.enqueue_dma source(%dma_start3A_67 : memref<64xi32, #tpu.memory_space<hbm>>) target(%arg7 : memref<64xi32, #tpu.memory_space<vmem>>) target_semaphore(%run_scoped3A : memref<!tpu.dma_semaphore, #tpu.memory_space<semaphore_mem>>)
      %dma_wait3A_68 = tpu.memref_slice %arg4[%multiple_of3A] : memref<8192xi32, #tpu.memory_space<hbm>> -> memref<64xi32, #tpu.memory_space<hbm>>
      %dma_wait3A_69 = tpu.memref_slice %arg4[%multiple_of3A] : memref<8192xi32, #tpu.memory_space<hbm>> -> memref<64xi32, #tpu.memory_space<hbm>>
      tpu.wait_dma2 semaphore(%run_scoped3A : memref<!tpu.dma_semaphore, #tpu.memory_space<semaphore_mem>>) src(%dma_wait3A_69 : memref<64xi32, #tpu.memory_space<hbm>>) dst(%arg7 : memref<64xi32, #tpu.memory_space<vmem>>)
      tpu.yield
    }) : () -> ()
    %dma_start3A = arith.constant 0 : i32
    %dma_start3A_5 = arith.constant 0 : i32
    %dma_start3A_6 = tpu.memref_slice %arg2[%dma_start3A, %dma_start3A_5] : memref<50000x128xf32, #tpu.memory_space<hbm>> -> memref<50000x128xf32, #tpu.memory_space<hbm>>
    tpu.enqueue_indirect_dma source(%dma_start3A_6 : memref<50000x128xf32, #tpu.memory_space<hbm>>) target(%arg8 : memref<64x128xf32, #tpu.memory_space<vmem>>) offsets(%arg7 : memref<64xi32, #tpu.memory_space<vmem>>) semaphore(%arg10 : memref<!tpu.dma_semaphore, #tpu.memory_space<semaphore_mem>>)
    %dma_start3A_7 = arith.constant 0 : i32
    %dma_start3A_8 = arith.constant 0 : i32
    %dma_start3A_9 = tpu.memref_slice %arg3[%dma_start3A_7, %dma_start3A_8] : memref<50000x128xf32, #tpu.memory_space<hbm>> -> memref<50000x128xf32, #tpu.memory_space<hbm>>
    tpu.enqueue_indirect_dma source(%dma_start3A_9 : memref<50000x128xf32, #tpu.memory_space<hbm>>) target(%arg9 : memref<64x128xf32, #tpu.memory_space<vmem>>) offsets(%arg7 : memref<64xi32, #tpu.memory_space<vmem>>) semaphore(%arg11 : memref<!tpu.dma_semaphore, #tpu.memory_space<semaphore_mem>>)
    %dma_wait3A = arith.constant 0 : i32
    %dma_wait3A_10 = arith.constant 0 : i32
    %dma_wait3A_11 = tpu.memref_slice %arg2[%dma_wait3A, %dma_wait3A_10] : memref<50000x128xf32, #tpu.memory_space<hbm>> -> memref<50000x128xf32, #tpu.memory_space<hbm>>
    tpu.wait_indirect_dma semaphore(%arg10 : memref<!tpu.dma_semaphore, #tpu.memory_space<semaphore_mem>>) src(%dma_wait3A_11 : memref<50000x128xf32, #tpu.memory_space<hbm>>) dst(%arg8 : memref<64x128xf32, #tpu.memory_space<vmem>>)
    %dma_wait3A_12 = arith.constant 0 : i32
    %dma_wait3A_13 = arith.constant 0 : i32
    %dma_wait3A_14 = tpu.memref_slice %arg3[%dma_wait3A_12, %dma_wait3A_13] : memref<50000x128xf32, #tpu.memory_space<hbm>> -> memref<50000x128xf32, #tpu.memory_space<hbm>>
    tpu.wait_indirect_dma semaphore(%arg11 : memref<!tpu.dma_semaphore, #tpu.memory_space<semaphore_mem>>) src(%dma_wait3A_14 : memref<50000x128xf32, #tpu.memory_space<hbm>>) dst(%arg9 : memref<64x128xf32, #tpu.memory_space<vmem>>)
    "tpu.region"() ({
      %run_scoped3A = tpu.sem_alloc : memref<!tpu.dma_semaphore, #tpu.memory_space<semaphore_mem>>
      %dma_start3A_66 = arith.constant 0 : i32
      %dma_start3A_67 = tpu.memref_slice %arg5[%multiple_of3A, %dma_start3A_66] : memref<8192x128xf32, #tpu.memory_space<hbm>> -> memref<64x128xf32, #tpu.memory_space<hbm>>
      %dma_start3A_68 = arith.constant 0 : i32
      %dma_start3A_69 = tpu.memref_slice %arg5[%multiple_of3A, %dma_start3A_68] : memref<8192x128xf32, #tpu.memory_space<hbm>> -> memref<64x128xf32, #tpu.memory_space<hbm>>
      tpu.enqueue_dma source(%arg8 : memref<64x128xf32, #tpu.memory_space<vmem>>) target(%dma_start3A_69 : memref<64x128xf32, #tpu.memory_space<hbm>>) target_semaphore(%run_scoped3A : memref<!tpu.dma_semaphore, #tpu.memory_space<semaphore_mem>>)
      %dma_wait3A_70 = arith.constant 0 : i32
      %dma_wait3A_71 = tpu.memref_slice %arg5[%multiple_of3A, %dma_wait3A_70] : memref<8192x128xf32, #tpu.memory_space<hbm>> -> memref<64x128xf32, #tpu.memory_space<hbm>>
      %dma_wait3A_72 = arith.constant 0 : i32
      %dma_wait3A_73 = tpu.memref_slice %arg5[%multiple_of3A, %dma_wait3A_72] : memref<8192x128xf32, #tpu.memory_space<hbm>> -> memref<64x128xf32, #tpu.memory_space<hbm>>
      tpu.wait_dma2 semaphore(%run_scoped3A : memref<!tpu.dma_semaphore, #tpu.memory_space<semaphore_mem>>) src(%arg8 : memref<64x128xf32, #tpu.memory_space<vmem>>) dst(%dma_wait3A_73 : memref<64x128xf32, #tpu.memory_space<hbm>>)
      tpu.yield
    }) : () -> ()
    "tpu.region"() ({
      %run_scoped3A = tpu.sem_alloc : memref<!tpu.dma_semaphore, #tpu.memory_space<semaphore_mem>>
      %dma_start3A_66 = arith.constant 0 : i32
      %dma_start3A_67 = tpu.memref_slice %arg6[%multiple_of3A, %dma_start3A_66] : memref<8192x128xf32, #tpu.memory_space<hbm>> -> memref<64x128xf32, #tpu.memory_space<hbm>>
      %dma_start3A_68 = arith.constant 0 : i32
      %dma_start3A_69 = tpu.memref_slice %arg6[%multiple_of3A, %dma_start3A_68] : memref<8192x128xf32, #tpu.memory_space<hbm>> -> memref<64x128xf32, #tpu.memory_space<hbm>>
      tpu.enqueue_dma source(%arg9 : memref<64x128xf32, #tpu.memory_space<vmem>>) target(%dma_start3A_69 : memref<64x128xf32, #tpu.memory_space<hbm>>) target_semaphore(%run_scoped3A : memref<!tpu.dma_semaphore, #tpu.memory_space<semaphore_mem>>)
      %dma_wait3A_70 = arith.constant 0 : i32
      %dma_wait3A_71 = tpu.memref_slice %arg6[%multiple_of3A, %dma_wait3A_70] : memref<8192x128xf32, #tpu.memory_space<hbm>> -> memref<64x128xf32, #tpu.memory_space<hbm>>
      %dma_wait3A_72 = arith.constant 0 : i32
      %dma_wait3A_73 = tpu.memref_slice %arg6[%multiple_of3A, %dma_wait3A_72] : memref<8192x128xf32, #tpu.memory_space<hbm>> -> memref<64x128xf32, #tpu.memory_space<hbm>>
      tpu.wait_dma2 semaphore(%run_scoped3A : memref<!tpu.dma_semaphore, #tpu.memory_space<semaphore_mem>>) src(%arg9 : memref<64x128xf32, #tpu.memory_space<vmem>>) dst(%dma_wait3A_73 : memref<64x128xf32, #tpu.memory_space<hbm>>)
      tpu.yield
    }) : () -> ()
    %mul3A_15 = arith.constant 256 : i32
    %mul3A_16 = arith.muli %add3A, %mul3A_15 : i32
    %add3A_17 = arith.constant 64 : i32
    %add3A_18 = arith.addi %mul3A_16, %add3A_17 : i32
    %multiple_of3A_19 = tpu.assume_multiple %add3A_18, 64 : i32
    "tpu.region"() ({
      %run_scoped3A = tpu.sem_alloc : memref<!tpu.dma_semaphore, #tpu.memory_space<semaphore_mem>>
      %dma_start3A_66 = tpu.memref_slice %arg4[%multiple_of3A_19] : memref<8192xi32, #tpu.memory_space<hbm>> -> memref<64xi32, #tpu.memory_space<hbm>>
      %dma_start3A_67 = tpu.memref_slice %arg4[%multiple_of3A_19] : memref<8192xi32, #tpu.memory_space<hbm>> -> memref<64xi32, #tpu.memory_space<hbm>>
      tpu.enqueue_dma source(%dma_start3A_67 : memref<64xi32, #tpu.memory_space<hbm>>) target(%arg7 : memref<64xi32, #tpu.memory_space<vmem>>) target_semaphore(%run_scoped3A : memref<!tpu.dma_semaphore, #tpu.memory_space<semaphore_mem>>)
      %dma_wait3A_68 = tpu.memref_slice %arg4[%multiple_of3A_19] : memref<8192xi32, #tpu.memory_space<hbm>> -> memref<64xi32, #tpu.memory_space<hbm>>
      %dma_wait3A_69 = tpu.memref_slice %arg4[%multiple_of3A_19] : memref<8192xi32, #tpu.memory_space<hbm>> -> memref<64xi32, #tpu.memory_space<hbm>>
      tpu.wait_dma2 semaphore(%run_scoped3A : memref<!tpu.dma_semaphore, #tpu.memory_space<semaphore_mem>>) src(%dma_wait3A_69 : memref<64xi32, #tpu.memory_space<hbm>>) dst(%arg7 : memref<64xi32, #tpu.memory_space<vmem>>)
      tpu.yield
    }) : () -> ()
    %dma_start3A_20 = arith.constant 0 : i32
    %dma_start3A_21 = arith.constant 0 : i32
    %dma_start3A_22 = tpu.memref_slice %arg2[%dma_start3A_20, %dma_start3A_21] : memref<50000x128xf32, #tpu.memory_space<hbm>> -> memref<50000x128xf32, #tpu.memory_space<hbm>>
    tpu.enqueue_indirect_dma source(%dma_start3A_22 : memref<50000x128xf32, #tpu.memory_space<hbm>>) target(%arg8 : memref<64x128xf32, #tpu.memory_space<vmem>>) offsets(%arg7 : memref<64xi32, #tpu.memory_space<vmem>>) semaphore(%arg10 : memref<!tpu.dma_semaphore, #tpu.memory_space<semaphore_mem>>)
    %dma_start3A_23 = arith.constant 0 : i32
    %dma_start3A_24 = arith.constant 0 : i32
    %dma_start3A_25 = tpu.memref_slice %arg3[%dma_start3A_23, %dma_start3A_24] : memref<50000x128xf32, #tpu.memory_space<hbm>> -> memref<50000x128xf32, #tpu.memory_space<hbm>>
    tpu.enqueue_indirect_dma source(%dma_start3A_25 : memref<50000x128xf32, #tpu.memory_space<hbm>>) target(%arg9 : memref<64x128xf32, #tpu.memory_space<vmem>>) offsets(%arg7 : memref<64xi32, #tpu.memory_space<vmem>>) semaphore(%arg11 : memref<!tpu.dma_semaphore, #tpu.memory_space<semaphore_mem>>)
    %dma_wait3A_26 = arith.constant 0 : i32
    %dma_wait3A_27 = arith.constant 0 : i32
    %dma_wait3A_28 = tpu.memref_slice %arg2[%dma_wait3A_26, %dma_wait3A_27] : memref<50000x128xf32, #tpu.memory_space<hbm>> -> memref<50000x128xf32, #tpu.memory_space<hbm>>
    tpu.wait_indirect_dma semaphore(%arg10 : memref<!tpu.dma_semaphore, #tpu.memory_space<semaphore_mem>>) src(%dma_wait3A_28 : memref<50000x128xf32, #tpu.memory_space<hbm>>) dst(%arg8 : memref<64x128xf32, #tpu.memory_space<vmem>>)
    %dma_wait3A_29 = arith.constant 0 : i32
    %dma_wait3A_30 = arith.constant 0 : i32
    %dma_wait3A_31 = tpu.memref_slice %arg3[%dma_wait3A_29, %dma_wait3A_30] : memref<50000x128xf32, #tpu.memory_space<hbm>> -> memref<50000x128xf32, #tpu.memory_space<hbm>>
    tpu.wait_indirect_dma semaphore(%arg11 : memref<!tpu.dma_semaphore, #tpu.memory_space<semaphore_mem>>) src(%dma_wait3A_31 : memref<50000x128xf32, #tpu.memory_space<hbm>>) dst(%arg9 : memref<64x128xf32, #tpu.memory_space<vmem>>)
    "tpu.region"() ({
      %run_scoped3A = tpu.sem_alloc : memref<!tpu.dma_semaphore, #tpu.memory_space<semaphore_mem>>
      %dma_start3A_66 = arith.constant 0 : i32
      %dma_start3A_67 = tpu.memref_slice %arg5[%multiple_of3A_19, %dma_start3A_66] : memref<8192x128xf32, #tpu.memory_space<hbm>> -> memref<64x128xf32, #tpu.memory_space<hbm>>
      %dma_start3A_68 = arith.constant 0 : i32
      %dma_start3A_69 = tpu.memref_slice %arg5[%multiple_of3A_19, %dma_start3A_68] : memref<8192x128xf32, #tpu.memory_space<hbm>> -> memref<64x128xf32, #tpu.memory_space<hbm>>
      tpu.enqueue_dma source(%arg8 : memref<64x128xf32, #tpu.memory_space<vmem>>) target(%dma_start3A_69 : memref<64x128xf32, #tpu.memory_space<hbm>>) target_semaphore(%run_scoped3A : memref<!tpu.dma_semaphore, #tpu.memory_space<semaphore_mem>>)
      %dma_wait3A_70 = arith.constant 0 : i32
      %dma_wait3A_71 = tpu.memref_slice %arg5[%multiple_of3A_19, %dma_wait3A_70] : memref<8192x128xf32, #tpu.memory_space<hbm>> -> memref<64x128xf32, #tpu.memory_space<hbm>>
      %dma_wait3A_72 = arith.constant 0 : i32
      %dma_wait3A_73 = tpu.memref_slice %arg5[%multiple_of3A_19, %dma_wait3A_72] : memref<8192x128xf32, #tpu.memory_space<hbm>> -> memref<64x128xf32, #tpu.memory_space<hbm>>
      tpu.wait_dma2 semaphore(%run_scoped3A : memref<!tpu.dma_semaphore, #tpu.memory_space<semaphore_mem>>) src(%arg8 : memref<64x128xf32, #tpu.memory_space<vmem>>) dst(%dma_wait3A_73 : memref<64x128xf32, #tpu.memory_space<hbm>>)
      tpu.yield
    }) : () -> ()
    "tpu.region"() ({
      %run_scoped3A = tpu.sem_alloc : memref<!tpu.dma_semaphore, #tpu.memory_space<semaphore_mem>>
      %dma_start3A_66 = arith.constant 0 : i32
      %dma_start3A_67 = tpu.memref_slice %arg6[%multiple_of3A_19, %dma_start3A_66] : memref<8192x128xf32, #tpu.memory_space<hbm>> -> memref<64x128xf32, #tpu.memory_space<hbm>>
      %dma_start3A_68 = arith.constant 0 : i32
      %dma_start3A_69 = tpu.memref_slice %arg6[%multiple_of3A_19, %dma_start3A_68] : memref<8192x128xf32, #tpu.memory_space<hbm>> -> memref<64x128xf32, #tpu.memory_space<hbm>>
      tpu.enqueue_dma source(%arg9 : memref<64x128xf32, #tpu.memory_space<vmem>>) target(%dma_start3A_69 : memref<64x128xf32, #tpu.memory_space<hbm>>) target_semaphore(%run_scoped3A : memref<!tpu.dma_semaphore, #tpu.memory_space<semaphore_mem>>)
      %dma_wait3A_70 = arith.constant 0 : i32
      %dma_wait3A_71 = tpu.memref_slice %arg6[%multiple_of3A_19, %dma_wait3A_70] : memref<8192x128xf32, #tpu.memory_space<hbm>> -> memref<64x128xf32, #tpu.memory_space<hbm>>
      %dma_wait3A_72 = arith.constant 0 : i32
      %dma_wait3A_73 = tpu.memref_slice %arg6[%multiple_of3A_19, %dma_wait3A_72] : memref<8192x128xf32, #tpu.memory_space<hbm>> -> memref<64x128xf32, #tpu.memory_space<hbm>>
      tpu.wait_dma2 semaphore(%run_scoped3A : memref<!tpu.dma_semaphore, #tpu.memory_space<semaphore_mem>>) src(%arg9 : memref<64x128xf32, #tpu.memory_space<vmem>>) dst(%dma_wait3A_73 : memref<64x128xf32, #tpu.memory_space<hbm>>)
      tpu.yield
    }) : () -> ()
    %mul3A_32 = arith.constant 256 : i32
    %mul3A_33 = arith.muli %add3A, %mul3A_32 : i32
    %add3A_34 = arith.constant 128 : i32
    %add3A_35 = arith.addi %mul3A_33, %add3A_34 : i32
    %multiple_of3A_36 = tpu.assume_multiple %add3A_35, 64 : i32
    "tpu.region"() ({
      %run_scoped3A = tpu.sem_alloc : memref<!tpu.dma_semaphore, #tpu.memory_space<semaphore_mem>>
      %dma_start3A_66 = tpu.memref_slice %arg4[%multiple_of3A_36] : memref<8192xi32, #tpu.memory_space<hbm>> -> memref<64xi32, #tpu.memory_space<hbm>>
      %dma_start3A_67 = tpu.memref_slice %arg4[%multiple_of3A_36] : memref<8192xi32, #tpu.memory_space<hbm>> -> memref<64xi32, #tpu.memory_space<hbm>>
      tpu.enqueue_dma source(%dma_start3A_67 : memref<64xi32, #tpu.memory_space<hbm>>) target(%arg7 : memref<64xi32, #tpu.memory_space<vmem>>) target_semaphore(%run_scoped3A : memref<!tpu.dma_semaphore, #tpu.memory_space<semaphore_mem>>)
      %dma_wait3A_68 = tpu.memref_slice %arg4[%multiple_of3A_36] : memref<8192xi32, #tpu.memory_space<hbm>> -> memref<64xi32, #tpu.memory_space<hbm>>
      %dma_wait3A_69 = tpu.memref_slice %arg4[%multiple_of3A_36] : memref<8192xi32, #tpu.memory_space<hbm>> -> memref<64xi32, #tpu.memory_space<hbm>>
      tpu.wait_dma2 semaphore(%run_scoped3A : memref<!tpu.dma_semaphore, #tpu.memory_space<semaphore_mem>>) src(%dma_wait3A_69 : memref<64xi32, #tpu.memory_space<hbm>>) dst(%arg7 : memref<64xi32, #tpu.memory_space<vmem>>)
      tpu.yield
    }) : () -> ()
    %dma_start3A_37 = arith.constant 0 : i32
    %dma_start3A_38 = arith.constant 0 : i32
    %dma_start3A_39 = tpu.memref_slice %arg2[%dma_start3A_37, %dma_start3A_38] : memref<50000x128xf32, #tpu.memory_space<hbm>> -> memref<50000x128xf32, #tpu.memory_space<hbm>>
    tpu.enqueue_indirect_dma source(%dma_start3A_39 : memref<50000x128xf32, #tpu.memory_space<hbm>>) target(%arg8 : memref<64x128xf32, #tpu.memory_space<vmem>>) offsets(%arg7 : memref<64xi32, #tpu.memory_space<vmem>>) semaphore(%arg10 : memref<!tpu.dma_semaphore, #tpu.memory_space<semaphore_mem>>)
    %dma_start3A_40 = arith.constant 0 : i32
    %dma_start3A_41 = arith.constant 0 : i32
    %dma_start3A_42 = tpu.memref_slice %arg3[%dma_start3A_40, %dma_start3A_41] : memref<50000x128xf32, #tpu.memory_space<hbm>> -> memref<50000x128xf32, #tpu.memory_space<hbm>>
    tpu.enqueue_indirect_dma source(%dma_start3A_42 : memref<50000x128xf32, #tpu.memory_space<hbm>>) target(%arg9 : memref<64x128xf32, #tpu.memory_space<vmem>>) offsets(%arg7 : memref<64xi32, #tpu.memory_space<vmem>>) semaphore(%arg11 : memref<!tpu.dma_semaphore, #tpu.memory_space<semaphore_mem>>)
    %dma_wait3A_43 = arith.constant 0 : i32
    %dma_wait3A_44 = arith.constant 0 : i32
    %dma_wait3A_45 = tpu.memref_slice %arg2[%dma_wait3A_43, %dma_wait3A_44] : memref<50000x128xf32, #tpu.memory_space<hbm>> -> memref<50000x128xf32, #tpu.memory_space<hbm>>
    tpu.wait_indirect_dma semaphore(%arg10 : memref<!tpu.dma_semaphore, #tpu.memory_space<semaphore_mem>>) src(%dma_wait3A_45 : memref<50000x128xf32, #tpu.memory_space<hbm>>) dst(%arg8 : memref<64x128xf32, #tpu.memory_space<vmem>>)
    %dma_wait3A_46 = arith.constant 0 : i32
    %dma_wait3A_47 = arith.constant 0 : i32
    %dma_wait3A_48 = tpu.memref_slice %arg3[%dma_wait3A_46, %dma_wait3A_47] : memref<50000x128xf32, #tpu.memory_space<hbm>> -> memref<50000x128xf32, #tpu.memory_space<hbm>>
    tpu.wait_indirect_dma semaphore(%arg11 : memref<!tpu.dma_semaphore, #tpu.memory_space<semaphore_mem>>) src(%dma_wait3A_48 : memref<50000x128xf32, #tpu.memory_space<hbm>>) dst(%arg9 : memref<64x128xf32, #tpu.memory_space<vmem>>)
    "tpu.region"() ({
      %run_scoped3A = tpu.sem_alloc : memref<!tpu.dma_semaphore, #tpu.memory_space<semaphore_mem>>
      %dma_start3A_66 = arith.constant 0 : i32
      %dma_start3A_67 = tpu.memref_slice %arg5[%multiple_of3A_36, %dma_start3A_66] : memref<8192x128xf32, #tpu.memory_space<hbm>> -> memref<64x128xf32, #tpu.memory_space<hbm>>
      %dma_start3A_68 = arith.constant 0 : i32
      %dma_start3A_69 = tpu.memref_slice %arg5[%multiple_of3A_36, %dma_start3A_68] : memref<8192x128xf32, #tpu.memory_space<hbm>> -> memref<64x128xf32, #tpu.memory_space<hbm>>
      tpu.enqueue_dma source(%arg8 : memref<64x128xf32, #tpu.memory_space<vmem>>) target(%dma_start3A_69 : memref<64x128xf32, #tpu.memory_space<hbm>>) target_semaphore(%run_scoped3A : memref<!tpu.dma_semaphore, #tpu.memory_space<semaphore_mem>>)
      %dma_wait3A_70 = arith.constant 0 : i32
      %dma_wait3A_71 = tpu.memref_slice %arg5[%multiple_of3A_36, %dma_wait3A_70] : memref<8192x128xf32, #tpu.memory_space<hbm>> -> memref<64x128xf32, #tpu.memory_space<hbm>>
      %dma_wait3A_72 = arith.constant 0 : i32
      %dma_wait3A_73 = tpu.memref_slice %arg5[%multiple_of3A_36, %dma_wait3A_72] : memref<8192x128xf32, #tpu.memory_space<hbm>> -> memref<64x128xf32, #tpu.memory_space<hbm>>
      tpu.wait_dma2 semaphore(%run_scoped3A : memref<!tpu.dma_semaphore, #tpu.memory_space<semaphore_mem>>) src(%arg8 : memref<64x128xf32, #tpu.memory_space<vmem>>) dst(%dma_wait3A_73 : memref<64x128xf32, #tpu.memory_space<hbm>>)
      tpu.yield
    }) : () -> ()
    "tpu.region"() ({
      %run_scoped3A = tpu.sem_alloc : memref<!tpu.dma_semaphore, #tpu.memory_space<semaphore_mem>>
      %dma_start3A_66 = arith.constant 0 : i32
      %dma_start3A_67 = tpu.memref_slice %arg6[%multiple_of3A_36, %dma_start3A_66] : memref<8192x128xf32, #tpu.memory_space<hbm>> -> memref<64x128xf32, #tpu.memory_space<hbm>>
      %dma_start3A_68 = arith.constant 0 : i32
      %dma_start3A_69 = tpu.memref_slice %arg6[%multiple_of3A_36, %dma_start3A_68] : memref<8192x128xf32, #tpu.memory_space<hbm>> -> memref<64x128xf32, #tpu.memory_space<hbm>>
      tpu.enqueue_dma source(%arg9 : memref<64x128xf32, #tpu.memory_space<vmem>>) target(%dma_start3A_69 : memref<64x128xf32, #tpu.memory_space<hbm>>) target_semaphore(%run_scoped3A : memref<!tpu.dma_semaphore, #tpu.memory_space<semaphore_mem>>)
      %dma_wait3A_70 = arith.constant 0 : i32
      %dma_wait3A_71 = tpu.memref_slice %arg6[%multiple_of3A_36, %dma_wait3A_70] : memref<8192x128xf32, #tpu.memory_space<hbm>> -> memref<64x128xf32, #tpu.memory_space<hbm>>
      %dma_wait3A_72 = arith.constant 0 : i32
      %dma_wait3A_73 = tpu.memref_slice %arg6[%multiple_of3A_36, %dma_wait3A_72] : memref<8192x128xf32, #tpu.memory_space<hbm>> -> memref<64x128xf32, #tpu.memory_space<hbm>>
      tpu.wait_dma2 semaphore(%run_scoped3A : memref<!tpu.dma_semaphore, #tpu.memory_space<semaphore_mem>>) src(%arg9 : memref<64x128xf32, #tpu.memory_space<vmem>>) dst(%dma_wait3A_73 : memref<64x128xf32, #tpu.memory_space<hbm>>)
      tpu.yield
    }) : () -> ()
    %mul3A_49 = arith.constant 256 : i32
    %mul3A_50 = arith.muli %add3A, %mul3A_49 : i32
    %add3A_51 = arith.constant 192 : i32
    %add3A_52 = arith.addi %mul3A_50, %add3A_51 : i32
    %multiple_of3A_53 = tpu.assume_multiple %add3A_52, 64 : i32
    "tpu.region"() ({
      %run_scoped3A = tpu.sem_alloc : memref<!tpu.dma_semaphore, #tpu.memory_space<semaphore_mem>>
      %dma_start3A_66 = tpu.memref_slice %arg4[%multiple_of3A_53] : memref<8192xi32, #tpu.memory_space<hbm>> -> memref<64xi32, #tpu.memory_space<hbm>>
      %dma_start3A_67 = tpu.memref_slice %arg4[%multiple_of3A_53] : memref<8192xi32, #tpu.memory_space<hbm>> -> memref<64xi32, #tpu.memory_space<hbm>>
      tpu.enqueue_dma source(%dma_start3A_67 : memref<64xi32, #tpu.memory_space<hbm>>) target(%arg7 : memref<64xi32, #tpu.memory_space<vmem>>) target_semaphore(%run_scoped3A : memref<!tpu.dma_semaphore, #tpu.memory_space<semaphore_mem>>)
      %dma_wait3A_68 = tpu.memref_slice %arg4[%multiple_of3A_53] : memref<8192xi32, #tpu.memory_space<hbm>> -> memref<64xi32, #tpu.memory_space<hbm>>
      %dma_wait3A_69 = tpu.memref_slice %arg4[%multiple_of3A_53] : memref<8192xi32, #tpu.memory_space<hbm>> -> memref<64xi32, #tpu.memory_space<hbm>>
      tpu.wait_dma2 semaphore(%run_scoped3A : memref<!tpu.dma_semaphore, #tpu.memory_space<semaphore_mem>>) src(%dma_wait3A_69 : memref<64xi32, #tpu.memory_space<hbm>>) dst(%arg7 : memref<64xi32, #tpu.memory_space<vmem>>)
      tpu.yield
    }) : () -> ()
    %dma_start3A_54 = arith.constant 0 : i32
    %dma_start3A_55 = arith.constant 0 : i32
    %dma_start3A_56 = tpu.memref_slice %arg2[%dma_start3A_54, %dma_start3A_55] : memref<50000x128xf32, #tpu.memory_space<hbm>> -> memref<50000x128xf32, #tpu.memory_space<hbm>>
    tpu.enqueue_indirect_dma source(%dma_start3A_56 : memref<50000x128xf32, #tpu.memory_space<hbm>>) target(%arg8 : memref<64x128xf32, #tpu.memory_space<vmem>>) offsets(%arg7 : memref<64xi32, #tpu.memory_space<vmem>>) semaphore(%arg10 : memref<!tpu.dma_semaphore, #tpu.memory_space<semaphore_mem>>)
    %dma_start3A_57 = arith.constant 0 : i32
    %dma_start3A_58 = arith.constant 0 : i32
    %dma_start3A_59 = tpu.memref_slice %arg3[%dma_start3A_57, %dma_start3A_58] : memref<50000x128xf32, #tpu.memory_space<hbm>> -> memref<50000x128xf32, #tpu.memory_space<hbm>>
    tpu.enqueue_indirect_dma source(%dma_start3A_59 : memref<50000x128xf32, #tpu.memory_space<hbm>>) target(%arg9 : memref<64x128xf32, #tpu.memory_space<vmem>>) offsets(%arg7 : memref<64xi32, #tpu.memory_space<vmem>>) semaphore(%arg11 : memref<!tpu.dma_semaphore, #tpu.memory_space<semaphore_mem>>)
    %dma_wait3A_60 = arith.constant 0 : i32
    %dma_wait3A_61 = arith.constant 0 : i32
    %dma_wait3A_62 = tpu.memref_slice %arg2[%dma_wait3A_60, %dma_wait3A_61] : memref<50000x128xf32, #tpu.memory_space<hbm>> -> memref<50000x128xf32, #tpu.memory_space<hbm>>
    tpu.wait_indirect_dma semaphore(%arg10 : memref<!tpu.dma_semaphore, #tpu.memory_space<semaphore_mem>>) src(%dma_wait3A_62 : memref<50000x128xf32, #tpu.memory_space<hbm>>) dst(%arg8 : memref<64x128xf32, #tpu.memory_space<vmem>>)
    %dma_wait3A_63 = arith.constant 0 : i32
    %dma_wait3A_64 = arith.constant 0 : i32
    %dma_wait3A_65 = tpu.memref_slice %arg3[%dma_wait3A_63, %dma_wait3A_64] : memref<50000x128xf32, #tpu.memory_space<hbm>> -> memref<50000x128xf32, #tpu.memory_space<hbm>>
    tpu.wait_indirect_dma semaphore(%arg11 : memref<!tpu.dma_semaphore, #tpu.memory_space<semaphore_mem>>) src(%dma_wait3A_65 : memref<50000x128xf32, #tpu.memory_space<hbm>>) dst(%arg9 : memref<64x128xf32, #tpu.memory_space<vmem>>)
    "tpu.region"() ({
      %run_scoped3A = tpu.sem_alloc : memref<!tpu.dma_semaphore, #tpu.memory_space<semaphore_mem>>
      %dma_start3A_66 = arith.constant 0 : i32
      %dma_start3A_67 = tpu.memref_slice %arg5[%multiple_of3A_53, %dma_start3A_66] : memref<8192x128xf32, #tpu.memory_space<hbm>> -> memref<64x128xf32, #tpu.memory_space<hbm>>
      %dma_start3A_68 = arith.constant 0 : i32
      %dma_start3A_69 = tpu.memref_slice %arg5[%multiple_of3A_53, %dma_start3A_68] : memref<8192x128xf32, #tpu.memory_space<hbm>> -> memref<64x128xf32, #tpu.memory_space<hbm>>
      tpu.enqueue_dma source(%arg8 : memref<64x128xf32, #tpu.memory_space<vmem>>) target(%dma_start3A_69 : memref<64x128xf32, #tpu.memory_space<hbm>>) target_semaphore(%run_scoped3A : memref<!tpu.dma_semaphore, #tpu.memory_space<semaphore_mem>>)
      %dma_wait3A_70 = arith.constant 0 : i32
      %dma_wait3A_71 = tpu.memref_slice %arg5[%multiple_of3A_53, %dma_wait3A_70] : memref<8192x128xf32, #tpu.memory_space<hbm>> -> memref<64x128xf32, #tpu.memory_space<hbm>>
      %dma_wait3A_72 = arith.constant 0 : i32
      %dma_wait3A_73 = tpu.memref_slice %arg5[%multiple_of3A_53, %dma_wait3A_72] : memref<8192x128xf32, #tpu.memory_space<hbm>> -> memref<64x128xf32, #tpu.memory_space<hbm>>
      tpu.wait_dma2 semaphore(%run_scoped3A : memref<!tpu.dma_semaphore, #tpu.memory_space<semaphore_mem>>) src(%arg8 : memref<64x128xf32, #tpu.memory_space<vmem>>) dst(%dma_wait3A_73 : memref<64x128xf32, #tpu.memory_space<hbm>>)
      tpu.yield
    }) : () -> ()
    "tpu.region"() ({
      %run_scoped3A = tpu.sem_alloc : memref<!tpu.dma_semaphore, #tpu.memory_space<semaphore_mem>>
      %dma_start3A_66 = arith.constant 0 : i32
      %dma_start3A_67 = tpu.memref_slice %arg6[%multiple_of3A_53, %dma_start3A_66] : memref<8192x128xf32, #tpu.memory_space<hbm>> -> memref<64x128xf32, #tpu.memory_space<hbm>>
      %dma_start3A_68 = arith.constant 0 : i32
      %dma_start3A_69 = tpu.memref_slice %arg6[%multiple_of3A_53, %dma_start3A_68] : memref<8192x128xf32, #tpu.memory_space<hbm>> -> memref<64x128xf32, #tpu.memory_space<hbm>>
      tpu.enqueue_dma source(%arg9 : memref<64x128xf32, #tpu.memory_space<vmem>>) target(%dma_start3A_69 : memref<64x128xf32, #tpu.memory_space<hbm>>) target_semaphore(%run_scoped3A : memref<!tpu.dma_semaphore, #tpu.memory_space<semaphore_mem>>)
      %dma_wait3A_70 = arith.constant 0 : i32
      %dma_wait3A_71 = tpu.memref_slice %arg6[%multiple_of3A_53, %dma_wait3A_70] : memref<8192x128xf32, #tpu.memory_space<hbm>> -> memref<64x128xf32, #tpu.memory_space<hbm>>
      %dma_wait3A_72 = arith.constant 0 : i32
      %dma_wait3A_73 = tpu.memref_slice %arg6[%multiple_of3A_53, %dma_wait3A_72] : memref<8192x128xf32, #tpu.memory_space<hbm>> -> memref<64x128xf32, #tpu.memory_space<hbm>>
      tpu.wait_dma2 semaphore(%run_scoped3A : memref<!tpu.dma_semaphore, #tpu.memory_space<semaphore_mem>>) src(%arg9 : memref<64x128xf32, #tpu.memory_space<vmem>>) dst(%dma_wait3A_73 : memref<64x128xf32, #tpu.memory_space<hbm>>)
      tpu.yield
    }) : () -> ()
    return
  }
}

#map = affine_map<(d0, d1) -> (0, 0)>
#map1 = affine_map<(d0, d1) -> (0)>
module attributes {stable_mosaic.version = 14 : i64} {
  func.func @new_body(%arg0: i32, %arg1: i32, %arg2: memref<8192x128xf32, #tpu.memory_space<hbm>>, %arg3: memref<8192xi32, #tpu.memory_space<hbm>>, %arg4: memref<8192xi32, #tpu.memory_space<hbm>>, %arg5: memref<50000x128xf32, #tpu.memory_space<hbm>>, %arg6: memref<50000x128xf32, #tpu.memory_space<hbm>>, %arg7: memref<128xi32, #tpu.memory_space<vmem>>, %arg8: memref<128xi32, #tpu.memory_space<vmem>>, %arg9: memref<128x128xf32, #tpu.memory_space<vmem>>, %arg10: memref<!tpu.dma_semaphore, #tpu.memory_space<semaphore_mem>>) attributes {dimension_semantics = [#tpu.dimension_semantics<core_parallel>, #tpu.dimension_semantics<subcore_parallel>], iteration_bounds = array<i64: 2, 16>, scalar_prefetch = 0 : i64, scratch_operands = 4 : i64, tpu.core_type = #tpu.core_type<sc_vector_subcore>, window_params = [{transform_indices = #map}, {transform_indices = #map1}, {transform_indices = #map1}, {transform_indices = #map}, {transform_indices = #map}]} {
    %mul3A = arith.constant 2 : i32
    %mul3A_0 = arith.muli %arg1, %mul3A : i32
    %add3A = arith.addi %mul3A_0, %arg0 : i32
    %mul3A_1 = arith.constant 256 : i32
    %mul3A_2 = arith.muli %add3A, %mul3A_1 : i32
    %add3A_3 = arith.constant 0 : i32
    %add3A_4 = arith.addi %mul3A_2, %add3A_3 : i32
    %multiple_of3A = tpu.assume_multiple %add3A_4, 128 : i32
    "tpu.region"() ({
      %run_scoped3A = tpu.sem_alloc : memref<!tpu.dma_semaphore, #tpu.memory_space<semaphore_mem>>
      %dma_start3A_32 = tpu.memref_slice %arg3[%multiple_of3A] : memref<8192xi32, #tpu.memory_space<hbm>> -> memref<128xi32, #tpu.memory_space<hbm>>
      %dma_start3A_33 = tpu.memref_slice %arg3[%multiple_of3A] : memref<8192xi32, #tpu.memory_space<hbm>> -> memref<128xi32, #tpu.memory_space<hbm>>
      tpu.enqueue_dma source(%dma_start3A_33 : memref<128xi32, #tpu.memory_space<hbm>>) target(%arg8 : memref<128xi32, #tpu.memory_space<vmem>>) target_semaphore(%run_scoped3A : memref<!tpu.dma_semaphore, #tpu.memory_space<semaphore_mem>>)
      %dma_wait3A_34 = tpu.memref_slice %arg3[%multiple_of3A] : memref<8192xi32, #tpu.memory_space<hbm>> -> memref<128xi32, #tpu.memory_space<hbm>>
      %dma_wait3A_35 = tpu.memref_slice %arg3[%multiple_of3A] : memref<8192xi32, #tpu.memory_space<hbm>> -> memref<128xi32, #tpu.memory_space<hbm>>
      tpu.wait_dma2 semaphore(%run_scoped3A : memref<!tpu.dma_semaphore, #tpu.memory_space<semaphore_mem>>) src(%dma_wait3A_35 : memref<128xi32, #tpu.memory_space<hbm>>) dst(%arg8 : memref<128xi32, #tpu.memory_space<vmem>>)
      tpu.yield
    }) : () -> ()
    "tpu.region"() ({
      %run_scoped3A = tpu.sem_alloc : memref<!tpu.dma_semaphore, #tpu.memory_space<semaphore_mem>>
      %dma_start3A_32 = tpu.memref_slice %arg4[%multiple_of3A] : memref<8192xi32, #tpu.memory_space<hbm>> -> memref<128xi32, #tpu.memory_space<hbm>>
      %dma_start3A_33 = tpu.memref_slice %arg4[%multiple_of3A] : memref<8192xi32, #tpu.memory_space<hbm>> -> memref<128xi32, #tpu.memory_space<hbm>>
      tpu.enqueue_dma source(%dma_start3A_33 : memref<128xi32, #tpu.memory_space<hbm>>) target(%arg7 : memref<128xi32, #tpu.memory_space<vmem>>) target_semaphore(%run_scoped3A : memref<!tpu.dma_semaphore, #tpu.memory_space<semaphore_mem>>)
      %dma_wait3A_34 = tpu.memref_slice %arg4[%multiple_of3A] : memref<8192xi32, #tpu.memory_space<hbm>> -> memref<128xi32, #tpu.memory_space<hbm>>
      %dma_wait3A_35 = tpu.memref_slice %arg4[%multiple_of3A] : memref<8192xi32, #tpu.memory_space<hbm>> -> memref<128xi32, #tpu.memory_space<hbm>>
      tpu.wait_dma2 semaphore(%run_scoped3A : memref<!tpu.dma_semaphore, #tpu.memory_space<semaphore_mem>>) src(%dma_wait3A_35 : memref<128xi32, #tpu.memory_space<hbm>>) dst(%arg7 : memref<128xi32, #tpu.memory_space<vmem>>)
      tpu.yield
    }) : () -> ()
    %dma_start3A = arith.constant 0 : i32
    %dma_start3A_5 = arith.constant 0 : i32
    %dma_start3A_6 = tpu.memref_slice %arg2[%dma_start3A, %dma_start3A_5] : memref<8192x128xf32, #tpu.memory_space<hbm>> -> memref<8192x128xf32, #tpu.memory_space<hbm>>
    tpu.enqueue_indirect_dma source(%dma_start3A_6 : memref<8192x128xf32, #tpu.memory_space<hbm>>) target(%arg9 : memref<128x128xf32, #tpu.memory_space<vmem>>) offsets(%arg8 : memref<128xi32, #tpu.memory_space<vmem>>) semaphore(%arg10 : memref<!tpu.dma_semaphore, #tpu.memory_space<semaphore_mem>>)
    %dma_wait3A = arith.constant 0 : i32
    %dma_wait3A_7 = arith.constant 0 : i32
    %dma_wait3A_8 = tpu.memref_slice %arg2[%dma_wait3A, %dma_wait3A_7] : memref<8192x128xf32, #tpu.memory_space<hbm>> -> memref<8192x128xf32, #tpu.memory_space<hbm>>
    tpu.wait_indirect_dma semaphore(%arg10 : memref<!tpu.dma_semaphore, #tpu.memory_space<semaphore_mem>>) src(%dma_wait3A_8 : memref<8192x128xf32, #tpu.memory_space<hbm>>) dst(%arg9 : memref<128x128xf32, #tpu.memory_space<vmem>>)
    %dma_start3A_9 = arith.constant 0 : i32
    %dma_start3A_10 = arith.constant 0 : i32
    %dma_start3A_11 = tpu.memref_slice %arg5[%dma_start3A_9, %dma_start3A_10] : memref<50000x128xf32, #tpu.memory_space<hbm>> -> memref<50000x128xf32, #tpu.memory_space<hbm>>
    tpu.enqueue_indirect_dma source(%arg9 : memref<128x128xf32, #tpu.memory_space<vmem>>) target(%dma_start3A_11 : memref<50000x128xf32, #tpu.memory_space<hbm>>) offsets(%arg7 : memref<128xi32, #tpu.memory_space<vmem>>) semaphore(%arg10 : memref<!tpu.dma_semaphore, #tpu.memory_space<semaphore_mem>>)
    %dma_wait3A_12 = arith.constant 0 : i32
    %dma_wait3A_13 = arith.constant 0 : i32
    %dma_wait3A_14 = tpu.memref_slice %arg5[%dma_wait3A_12, %dma_wait3A_13] : memref<50000x128xf32, #tpu.memory_space<hbm>> -> memref<50000x128xf32, #tpu.memory_space<hbm>>
    tpu.wait_indirect_dma semaphore(%arg10 : memref<!tpu.dma_semaphore, #tpu.memory_space<semaphore_mem>>) src(%arg9 : memref<128x128xf32, #tpu.memory_space<vmem>>) dst(%dma_wait3A_14 : memref<50000x128xf32, #tpu.memory_space<hbm>>)
    %mul3A_15 = arith.constant 256 : i32
    %mul3A_16 = arith.muli %add3A, %mul3A_15 : i32
    %add3A_17 = arith.constant 128 : i32
    %add3A_18 = arith.addi %mul3A_16, %add3A_17 : i32
    %multiple_of3A_19 = tpu.assume_multiple %add3A_18, 128 : i32
    "tpu.region"() ({
      %run_scoped3A = tpu.sem_alloc : memref<!tpu.dma_semaphore, #tpu.memory_space<semaphore_mem>>
      %dma_start3A_32 = tpu.memref_slice %arg3[%multiple_of3A_19] : memref<8192xi32, #tpu.memory_space<hbm>> -> memref<128xi32, #tpu.memory_space<hbm>>
      %dma_start3A_33 = tpu.memref_slice %arg3[%multiple_of3A_19] : memref<8192xi32, #tpu.memory_space<hbm>> -> memref<128xi32, #tpu.memory_space<hbm>>
      tpu.enqueue_dma source(%dma_start3A_33 : memref<128xi32, #tpu.memory_space<hbm>>) target(%arg8 : memref<128xi32, #tpu.memory_space<vmem>>) target_semaphore(%run_scoped3A : memref<!tpu.dma_semaphore, #tpu.memory_space<semaphore_mem>>)
      %dma_wait3A_34 = tpu.memref_slice %arg3[%multiple_of3A_19] : memref<8192xi32, #tpu.memory_space<hbm>> -> memref<128xi32, #tpu.memory_space<hbm>>
      %dma_wait3A_35 = tpu.memref_slice %arg3[%multiple_of3A_19] : memref<8192xi32, #tpu.memory_space<hbm>> -> memref<128xi32, #tpu.memory_space<hbm>>
      tpu.wait_dma2 semaphore(%run_scoped3A : memref<!tpu.dma_semaphore, #tpu.memory_space<semaphore_mem>>) src(%dma_wait3A_35 : memref<128xi32, #tpu.memory_space<hbm>>) dst(%arg8 : memref<128xi32, #tpu.memory_space<vmem>>)
      tpu.yield
    }) : () -> ()
    "tpu.region"() ({
      %run_scoped3A = tpu.sem_alloc : memref<!tpu.dma_semaphore, #tpu.memory_space<semaphore_mem>>
      %dma_start3A_32 = tpu.memref_slice %arg4[%multiple_of3A_19] : memref<8192xi32, #tpu.memory_space<hbm>> -> memref<128xi32, #tpu.memory_space<hbm>>
      %dma_start3A_33 = tpu.memref_slice %arg4[%multiple_of3A_19] : memref<8192xi32, #tpu.memory_space<hbm>> -> memref<128xi32, #tpu.memory_space<hbm>>
      tpu.enqueue_dma source(%dma_start3A_33 : memref<128xi32, #tpu.memory_space<hbm>>) target(%arg7 : memref<128xi32, #tpu.memory_space<vmem>>) target_semaphore(%run_scoped3A : memref<!tpu.dma_semaphore, #tpu.memory_space<semaphore_mem>>)
      %dma_wait3A_34 = tpu.memref_slice %arg4[%multiple_of3A_19] : memref<8192xi32, #tpu.memory_space<hbm>> -> memref<128xi32, #tpu.memory_space<hbm>>
      %dma_wait3A_35 = tpu.memref_slice %arg4[%multiple_of3A_19] : memref<8192xi32, #tpu.memory_space<hbm>> -> memref<128xi32, #tpu.memory_space<hbm>>
      tpu.wait_dma2 semaphore(%run_scoped3A : memref<!tpu.dma_semaphore, #tpu.memory_space<semaphore_mem>>) src(%dma_wait3A_35 : memref<128xi32, #tpu.memory_space<hbm>>) dst(%arg7 : memref<128xi32, #tpu.memory_space<vmem>>)
      tpu.yield
    }) : () -> ()
    %dma_start3A_20 = arith.constant 0 : i32
    %dma_start3A_21 = arith.constant 0 : i32
    %dma_start3A_22 = tpu.memref_slice %arg2[%dma_start3A_20, %dma_start3A_21] : memref<8192x128xf32, #tpu.memory_space<hbm>> -> memref<8192x128xf32, #tpu.memory_space<hbm>>
    tpu.enqueue_indirect_dma source(%dma_start3A_22 : memref<8192x128xf32, #tpu.memory_space<hbm>>) target(%arg9 : memref<128x128xf32, #tpu.memory_space<vmem>>) offsets(%arg8 : memref<128xi32, #tpu.memory_space<vmem>>) semaphore(%arg10 : memref<!tpu.dma_semaphore, #tpu.memory_space<semaphore_mem>>)
    %dma_wait3A_23 = arith.constant 0 : i32
    %dma_wait3A_24 = arith.constant 0 : i32
    %dma_wait3A_25 = tpu.memref_slice %arg2[%dma_wait3A_23, %dma_wait3A_24] : memref<8192x128xf32, #tpu.memory_space<hbm>> -> memref<8192x128xf32, #tpu.memory_space<hbm>>
    tpu.wait_indirect_dma semaphore(%arg10 : memref<!tpu.dma_semaphore, #tpu.memory_space<semaphore_mem>>) src(%dma_wait3A_25 : memref<8192x128xf32, #tpu.memory_space<hbm>>) dst(%arg9 : memref<128x128xf32, #tpu.memory_space<vmem>>)
    %dma_start3A_26 = arith.constant 0 : i32
    %dma_start3A_27 = arith.constant 0 : i32
    %dma_start3A_28 = tpu.memref_slice %arg5[%dma_start3A_26, %dma_start3A_27] : memref<50000x128xf32, #tpu.memory_space<hbm>> -> memref<50000x128xf32, #tpu.memory_space<hbm>>
    tpu.enqueue_indirect_dma source(%arg9 : memref<128x128xf32, #tpu.memory_space<vmem>>) target(%dma_start3A_28 : memref<50000x128xf32, #tpu.memory_space<hbm>>) offsets(%arg7 : memref<128xi32, #tpu.memory_space<vmem>>) semaphore(%arg10 : memref<!tpu.dma_semaphore, #tpu.memory_space<semaphore_mem>>)
    %dma_wait3A_29 = arith.constant 0 : i32
    %dma_wait3A_30 = arith.constant 0 : i32
    %dma_wait3A_31 = tpu.memref_slice %arg5[%dma_wait3A_29, %dma_wait3A_30] : memref<50000x128xf32, #tpu.memory_space<hbm>> -> memref<50000x128xf32, #tpu.memory_space<hbm>>
    tpu.wait_indirect_dma semaphore(%arg10 : memref<!tpu.dma_semaphore, #tpu.memory_space<semaphore_mem>>) src(%arg9 : memref<128x128xf32, #tpu.memory_space<vmem>>) dst(%dma_wait3A_31 : memref<50000x128xf32, #tpu.memory_space<hbm>>)
    return
  }
}

#map = affine_map<(d0, d1) -> (0)>
module attributes {stable_mosaic.version = 14 : i64} {
  func.func @_sc_winner(%arg0: i32, %arg1: i32, %arg2: memref<8192xi32, #tpu.memory_space<hbm>>, %arg3: memref<8192xi32, #tpu.memory_space<hbm>>, %arg4: memref<50000xi32, #tpu.memory_space<vmem>>, %arg5: memref<8192xi32, #tpu.memory_space<vmem>>, %arg6: memref<8192xi32, #tpu.memory_space<vmem>>) attributes {dimension_semantics = [#tpu.dimension_semantics<core_parallel>, #tpu.dimension_semantics<subcore_parallel>], iteration_bounds = array<i64: 2, 16>, scalar_prefetch = 0 : i64, scratch_operands = 3 : i64, tpu.core_type = #tpu.core_type<sc_vector_subcore>, window_params = [{transform_indices = #map}, {transform_indices = #map}]} {
    %mul3A = arith.constant 2 : i32
    %mul3A_0 = arith.muli %arg1, %mul3A : i32
    %add3A = arith.addi %mul3A_0, %arg0 : i32
    %eq3A = arith.constant 0 : i32
    %eq3A_1 = arith.cmpi eq, %add3A, %eq3A : i32
    %convert_element_type3A = arith.extui %eq3A_1 : i1 to i32
    %cond3A = arith.constant 0 : i32
    %cond3A_2 = arith.cmpi ne, %convert_element_type3A, %cond3A : i32
    scf.if %cond3A_2 {
      "tpu.region"() ({
        %run_scoped3A = tpu.sem_alloc : memref<!tpu.dma_semaphore, #tpu.memory_space<semaphore_mem>>
        tpu.enqueue_dma source(%arg2 : memref<8192xi32, #tpu.memory_space<hbm>>) target(%arg5 : memref<8192xi32, #tpu.memory_space<vmem>>) target_semaphore(%run_scoped3A : memref<!tpu.dma_semaphore, #tpu.memory_space<semaphore_mem>>)
        tpu.wait_dma2 semaphore(%run_scoped3A : memref<!tpu.dma_semaphore, #tpu.memory_space<semaphore_mem>>) src(%arg2 : memref<8192xi32, #tpu.memory_space<hbm>>) dst(%arg5 : memref<8192xi32, #tpu.memory_space<vmem>>)
        tpu.yield
      }) : () -> ()
      %scan3A = arith.constant 0 : i32
      %scan3A_3 = arith.constant 0 : i32
      %scan3A_4 = arith.constant 512 : i32
      %scan3A_5 = arith.addi %scan3A_3, %scan3A_4 : i32
      %scan3A_6 = arith.constant 4 : i32
      %scan3A_7 = scf.for %scan3A_17 = %scan3A_3 to %scan3A_5 step %scan3A_6 iter_args(%scan3A_18 = %scan3A) -> (i32)  : i32 {
        %mul3A_19 = arith.constant 16 : i32
        %mul3A_20 = arith.muli %scan3A_17, %mul3A_19 : i32
        %get3A = arith.index_cast %mul3A_20 : i32 to index
        %get3A_21 = tpu.vector_load %arg5[%get3A] {strides = array<i32>} : memref<8192xi32, #tpu.memory_space<vmem>>, vector<16xi32>,
        %iota3A = tpu.iota {dimensions = array<i32: 0>} : vector<16xi32>
        %mul3A_22 = arith.constant 16 : i32
        %mul3A_23 = arith.muli %scan3A_17, %mul3A_22 : i32
        %add3A_24 = vector.broadcast %mul3A_23 : i32 to vector<16xi32>
        %add3A_25 = arith.addi %iota3A, %add3A_24 : vector<16xi32>
        tpu.vector_store_idx %arg4[%get3A_21], %add3A_25 : memref<50000xi32, #tpu.memory_space<vmem>>[vector<16xi32>], vector<16xi32>,
        %scan3A_26 = arith.constant 0 : i32
        %scan3A_27 = arith.constant 1 : i32
        %scan3A_28 = arith.addi %scan3A_17, %scan3A_27 : i32
        %mul3A_29 = arith.constant 16 : i32
        %mul3A_30 = arith.muli %scan3A_28, %mul3A_29 : i32
        %get3A_31 = arith.index_cast %mul3A_30 : i32 to index
        %get3A_32 = tpu.vector_load %arg5[%get3A_31] {strides = array<i32>} : memref<8192xi32, #tpu.memory_space<vmem>>, vector<16xi32>,
        %iota3A_33 = tpu.iota {dimensions = array<i32: 0>} : vector<16xi32>
        %mul3A_34 = arith.constant 16 : i32
        %mul3A_35 = arith.muli %scan3A_28, %mul3A_34 : i32
        %add3A_36 = vector.broadcast %mul3A_35 : i32 to vector<16xi32>
        %add3A_37 = arith.addi %iota3A_33, %add3A_36 : vector<16xi32>
        tpu.vector_store_idx %arg4[%get3A_32], %add3A_37 : memref<50000xi32, #tpu.memory_space<vmem>>[vector<16xi32>], vector<16xi32>,
        %scan3A_38 = arith.constant 0 : i32
        %scan3A_39 = arith.constant 2 : i32
        %scan3A_40 = arith.addi %scan3A_17, %scan3A_39 : i32
        %mul3A_41 = arith.constant 16 : i32
        %mul3A_42 = arith.muli %scan3A_40, %mul3A_41 : i32
        %get3A_43 = arith.index_cast %mul3A_42 : i32 to index
        %get3A_44 = tpu.vector_load %arg5[%get3A_43] {strides = array<i32>} : memref<8192xi32, #tpu.memory_space<vmem>>, vector<16xi32>,
        %iota3A_45 = tpu.iota {dimensions = array<i32: 0>} : vector<16xi32>
        %mul3A_46 = arith.constant 16 : i32
        %mul3A_47 = arith.muli %scan3A_40, %mul3A_46 : i32
        %add3A_48 = vector.broadcast %mul3A_47 : i32 to vector<16xi32>
        %add3A_49 = arith.addi %iota3A_45, %add3A_48 : vector<16xi32>
        tpu.vector_store_idx %arg4[%get3A_44], %add3A_49 : memref<50000xi32, #tpu.memory_space<vmem>>[vector<16xi32>], vector<16xi32>,
        %scan3A_50 = arith.constant 0 : i32
        %scan3A_51 = arith.constant 3 : i32
        %scan3A_52 = arith.addi %scan3A_17, %scan3A_51 : i32
        %mul3A_53 = arith.constant 16 : i32
        %mul3A_54 = arith.muli %scan3A_52, %mul3A_53 : i32
        %get3A_55 = arith.index_cast %mul3A_54 : i32 to index
        %get3A_56 = tpu.vector_load %arg5[%get3A_55] {strides = array<i32>} : memref<8192xi32, #tpu.memory_space<vmem>>, vector<16xi32>,
        %iota3A_57 = tpu.iota {dimensions = array<i32: 0>} : vector<16xi32>
        %mul3A_58 = arith.constant 16 : i32
        %mul3A_59 = arith.muli %scan3A_52, %mul3A_58 : i32
        %add3A_60 = vector.broadcast %mul3A_59 : i32 to vector<16xi32>
        %add3A_61 = arith.addi %iota3A_57, %add3A_60 : vector<16xi32>
        tpu.vector_store_idx %arg4[%get3A_56], %add3A_61 : memref<50000xi32, #tpu.memory_space<vmem>>[vector<16xi32>], vector<16xi32>,
        %scan3A_62 = arith.constant 0 : i32
        scf.yield %scan3A_62 : i32
      }
      %scan3A_8 = arith.constant 512 : i32
      %while3A = arith.constant 1 : i32
      %while3A_9 = scf.while (%while3A_17 = %while3A) : (i32) -> i32 {
        %gt3A = arith.constant 0 : i32
        %gt3A_18 = arith.cmpi sgt, %while3A_17, %gt3A : i32
        scf.condition(%gt3A_18) %while3A_17 : i32
      } do {
      ^bb0(%while3A_17: i32):
        %broadcast_in_dim3A = arith.constant 0 : i32
        %broadcast_in_dim3A_18 = vector.broadcast %broadcast_in_dim3A : i32 to vector<16xi32>
        %scan3A_19 = arith.constant 0 : i32
        %scan3A_20 = arith.constant 512 : i32
        %scan3A_21 = arith.addi %scan3A_19, %scan3A_20 : i32
        %scan3A_22 = arith.constant 1 : i32
        %scan3A_23 = scf.for %scan3A_32 = %scan3A_19 to %scan3A_21 step %scan3A_22 iter_args(%scan3A_33 = %broadcast_in_dim3A_18) -> (vector<16xi32>)  : i32 {
          %mul3A_34 = arith.constant 16 : i32
          %mul3A_35 = arith.muli %scan3A_32, %mul3A_34 : i32
          %get3A = arith.index_cast %mul3A_35 : i32 to index
          %get3A_36 = tpu.vector_load %arg5[%get3A] {strides = array<i32>} : memref<8192xi32, #tpu.memory_space<vmem>>, vector<16xi32>,
          %iota3A = tpu.iota {dimensions = array<i32: 0>} : vector<16xi32>
          %mul3A_37 = arith.constant 16 : i32
          %mul3A_38 = arith.muli %scan3A_32, %mul3A_37 : i32
          %add3A_39 = vector.broadcast %mul3A_38 : i32 to vector<16xi32>
          %add3A_40 = arith.addi %iota3A, %add3A_39 : vector<16xi32>
          %gather3A = tpu.vector_load_idx %arg4[%get3A_36] : memref<50000xi32, #tpu.memory_space<vmem>>[vector<16xi32>], vector<16xi32>,
          %gt3A = arith.cmpi sgt, %add3A_40, %gather3A : vector<16xi32>
          tpu.vector_store_idx %arg4[%get3A_36], %add3A_40 masked %gt3A : memref<50000xi32, #tpu.memory_space<vmem>>[vector<16xi32>], vector<16xi32>, vector<16xi1>
          %jit3A = arith.constant 1 : i32
          %jit3A_41 = arith.constant 0 : i32
          %broadcast_in_dim3A_42 = vector.broadcast %jit3A : i32 to vector<16xi32>
          %broadcast_in_dim3A_43 = vector.broadcast %jit3A_41 : i32 to vector<16xi32>
          %select_n3A = arith.select %gt3A, %broadcast_in_dim3A_42, %broadcast_in_dim3A_43 : vector<16xi1>, vector<16xi32>
          %or3A = arith.ori %scan3A_33, %select_n3A : vector<16xi32>
          scf.yield %or3A : vector<16xi32>
        }
        %scan3A_24 = arith.constant 512 : i32
        %reduce_max3A = arith.constant true
        %reduce_max3A_25 = vector.broadcast %reduce_max3A : i1 to vector<16xi1>
        %reduce_max3A_26 = arith.constant -2147483648 : i32
        %reduce_max3A_27 = vector.broadcast %reduce_max3A_26 : i32 to vector<16xi32>
        %reduce_max3A_28 = arith.xori %scan3A_23, %reduce_max3A_27 : vector<16xi32>
        %reduce_max3A_29 = tpu.scan <max>, %reduce_max3A_28 masked %reduce_max3A_25 : vector<16xi32>, vector<16xi1> -> vector<16xi32>
        %reduce_max3A_30 = arith.xori %reduce_max3A_29, %reduce_max3A_27 : vector<16xi32>
        %reduce_max3A_31 = vector.extract %reduce_max3A_30[15] : i32 from vector<16xi32>
        scf.yield %reduce_max3A_31 : i32
      }
      %scan3A_10 = arith.constant 0 : i32
      %scan3A_11 = arith.constant 0 : i32
      %scan3A_12 = arith.constant 512 : i32
      %scan3A_13 = arith.addi %scan3A_11, %scan3A_12 : i32
      %scan3A_14 = arith.constant 4 : i32
      %scan3A_15 = scf.for %scan3A_17 = %scan3A_11 to %scan3A_13 step %scan3A_14 iter_args(%scan3A_18 = %scan3A_10) -> (i32)  : i32 {
        %mul3A_19 = arith.constant 16 : i32
        %mul3A_20 = arith.muli %scan3A_17, %mul3A_19 : i32
        %get3A = arith.index_cast %mul3A_20 : i32 to index
        %get3A_21 = tpu.vector_load %arg5[%get3A] {strides = array<i32>} : memref<8192xi32, #tpu.memory_space<vmem>>, vector<16xi32>,
        %gather3A = tpu.vector_load_idx %arg4[%get3A_21] : memref<50000xi32, #tpu.memory_space<vmem>>[vector<16xi32>], vector<16xi32>,
        %mul3A_22 = arith.constant 16 : i32
        %mul3A_23 = arith.muli %scan3A_17, %mul3A_22 : i32
        %swap3A = arith.index_cast %mul3A_23 : i32 to index
        %swap3A_24 = tpu.vector_load %arg6[%swap3A] {strides = array<i32>} : memref<8192xi32, #tpu.memory_space<vmem>>, vector<16xi32>,
        tpu.vector_store %arg6[%swap3A], %gather3A {strides = array<i32>} : memref<8192xi32, #tpu.memory_space<vmem>>, vector<16xi32>,
        %scan3A_25 = arith.constant 0 : i32
        %scan3A_26 = arith.constant 1 : i32
        %scan3A_27 = arith.addi %scan3A_17, %scan3A_26 : i32
        %mul3A_28 = arith.constant 16 : i32
        %mul3A_29 = arith.muli %scan3A_27, %mul3A_28 : i32
        %get3A_30 = arith.index_cast %mul3A_29 : i32 to index
        %get3A_31 = tpu.vector_load %arg5[%get3A_30] {strides = array<i32>} : memref<8192xi32, #tpu.memory_space<vmem>>, vector<16xi32>,
        %gather3A_32 = tpu.vector_load_idx %arg4[%get3A_31] : memref<50000xi32, #tpu.memory_space<vmem>>[vector<16xi32>], vector<16xi32>,
        %mul3A_33 = arith.constant 16 : i32
        %mul3A_34 = arith.muli %scan3A_27, %mul3A_33 : i32
        %swap3A_35 = arith.index_cast %mul3A_34 : i32 to index
        %swap3A_36 = tpu.vector_load %arg6[%swap3A_35] {strides = array<i32>} : memref<8192xi32, #tpu.memory_space<vmem>>, vector<16xi32>,
        tpu.vector_store %arg6[%swap3A_35], %gather3A_32 {strides = array<i32>} : memref<8192xi32, #tpu.memory_space<vmem>>, vector<16xi32>,
        %scan3A_37 = arith.constant 0 : i32
        %scan3A_38 = arith.constant 2 : i32
        %scan3A_39 = arith.addi %scan3A_17, %scan3A_38 : i32
        %mul3A_40 = arith.constant 16 : i32
        %mul3A_41 = arith.muli %scan3A_39, %mul3A_40 : i32
        %get3A_42 = arith.index_cast %mul3A_41 : i32 to index
        %get3A_43 = tpu.vector_load %arg5[%get3A_42] {strides = array<i32>} : memref<8192xi32, #tpu.memory_space<vmem>>, vector<16xi32>,
        %gather3A_44 = tpu.vector_load_idx %arg4[%get3A_43] : memref<50000xi32, #tpu.memory_space<vmem>>[vector<16xi32>], vector<16xi32>,
        %mul3A_45 = arith.constant 16 : i32
        %mul3A_46 = arith.muli %scan3A_39, %mul3A_45 : i32
        %swap3A_47 = arith.index_cast %mul3A_46 : i32 to index
        %swap3A_48 = tpu.vector_load %arg6[%swap3A_47] {strides = array<i32>} : memref<8192xi32, #tpu.memory_space<vmem>>, vector<16xi32>,
        tpu.vector_store %arg6[%swap3A_47], %gather3A_44 {strides = array<i32>} : memref<8192xi32, #tpu.memory_space<vmem>>, vector<16xi32>,
        %scan3A_49 = arith.constant 0 : i32
        %scan3A_50 = arith.constant 3 : i32
        %scan3A_51 = arith.addi %scan3A_17, %scan3A_50 : i32
        %mul3A_52 = arith.constant 16 : i32
        %mul3A_53 = arith.muli %scan3A_51, %mul3A_52 : i32
        %get3A_54 = arith.index_cast %mul3A_53 : i32 to index
        %get3A_55 = tpu.vector_load %arg5[%get3A_54] {strides = array<i32>} : memref<8192xi32, #tpu.memory_space<vmem>>, vector<16xi32>,
        %gather3A_56 = tpu.vector_load_idx %arg4[%get3A_55] : memref<50000xi32, #tpu.memory_space<vmem>>[vector<16xi32>], vector<16xi32>,
        %mul3A_57 = arith.constant 16 : i32
        %mul3A_58 = arith.muli %scan3A_51, %mul3A_57 : i32
        %swap3A_59 = arith.index_cast %mul3A_58 : i32 to index
        %swap3A_60 = tpu.vector_load %arg6[%swap3A_59] {strides = array<i32>} : memref<8192xi32, #tpu.memory_space<vmem>>, vector<16xi32>,
        tpu.vector_store %arg6[%swap3A_59], %gather3A_56 {strides = array<i32>} : memref<8192xi32, #tpu.memory_space<vmem>>, vector<16xi32>,
        %scan3A_61 = arith.constant 0 : i32
        scf.yield %scan3A_61 : i32
      }
      %scan3A_16 = arith.constant 512 : i32
      "tpu.region"() ({
        %run_scoped3A = tpu.sem_alloc : memref<!tpu.dma_semaphore, #tpu.memory_space<semaphore_mem>>
        tpu.enqueue_dma source(%arg6 : memref<8192xi32, #tpu.memory_space<vmem>>) target(%arg3 : memref<8192xi32, #tpu.memory_space<hbm>>) target_semaphore(%run_scoped3A : memref<!tpu.dma_semaphore, #tpu.memory_space<semaphore_mem>>)
        tpu.wait_dma2 semaphore(%run_scoped3A : memref<!tpu.dma_semaphore, #tpu.memory_space<semaphore_mem>>) src(%arg6 : memref<8192xi32, #tpu.memory_space<vmem>>) dst(%arg3 : memref<8192xi32, #tpu.memory_space<hbm>>)
        tpu.yield
      }) : () -> ()
    } else {
    }
    return
  }
}

module attributes {stable_mosaic.version = 14 : i64} {
  func.func @_tc_pool_body(%arg0: i32, %arg1: i32, %arg2: i32, %arg3: memref<64x25088xf32, #tpu.memory_space<vmem>>, %arg4: memref<1x64x64xf32, #tpu.memory_space<vmem>>, %arg5: memref<1x64x1xf32, #tpu.memory_space<vmem>>, %arg6: memref<1x64x25088xf32, #tpu.memory_space<vmem>>) attributes {dimension_semantics = [#tpu.dimension_semantics<arbitrary>, #tpu.dimension_semantics<arbitrary>, #tpu.dimension_semantics<arbitrary>], iteration_bounds = array<i64: 2, 2, 10>, scalar_prefetch = 0 : i64, scratch_operands = 0 : i64, tpu.core_type = #tpu.core_type<tc>, window_params = [{transform_indices = @transform_0, window_bounds = array<i64: 64, 25088>}, {transform_indices = @transform_1, window_bounds = array<i64: 1, 64, 64>}, {transform_indices = @transform_2, window_bounds = array<i64: 1, 64, 1>}, {transform_indices = @transform_3, window_bounds = array<i64: 1, 64, 25088>}]} {
    %get3A = arith.constant 0 : index
    %get3A_0 = arith.constant 0 : index
    %get3A_1 = vector.load %arg3[%get3A, %get3A_0] : memref<64x25088xf32, #tpu.memory_space<vmem>>, vector<64x25088xf32>
    %get3A_2 = arith.constant 0 : index
    %get3A_3 = arith.constant 0 : index
    %get3A_4 = arith.constant 0 : index
    %get3A_5 = vector.load %arg4[%get3A_2, %get3A_3, %get3A_4] : memref<1x64x64xf32, #tpu.memory_space<vmem>>, vector<1x64x64xf32>
    %get3A_6 = vector.shape_cast %get3A_5 : vector<1x64x64xf32> to vector<64x64xf32>
    %dot_general3A = arith.constant dense<0.000000e+00> : vector<64x25088xf32>
    %dot_general3A_7 = tpu.matmul %get3A_6, %get3A_1, %dot_general3A {dimension_numbers = #tpu.dot_dimension_numbers<[1], [0], [0], [1], [0, 0, 1, 1], [], []>, transpose_lhs_hint = false} : vector<64x64xf32>, vector<64x25088xf32>, vector<64x25088xf32> -> vector<64x25088xf32>
    %get3A_8 = arith.constant 0 : index
    %get3A_9 = arith.constant 0 : index
    %get3A_10 = arith.constant 0 : index
    %get3A_11 = vector.load %arg5[%get3A_8, %get3A_9, %get3A_10] : memref<1x64x1xf32, #tpu.memory_space<vmem>>, vector<1x64x1xf32>
    %get3A_12 = vector.shape_cast %get3A_11 : vector<1x64x1xf32> to vector<64x1xf32>
    %add3A = vector.broadcast %get3A_12 : vector<64x1xf32> to vector<64x25088xf32>
    %add3A_13 = arith.addf %dot_general3A_7, %add3A : vector<64x25088xf32>
    %max3A = arith.constant 0.000000e+00 : f32
    %max3A_14 = vector.broadcast %max3A : f32 to vector<64x25088xf32>
    %max3A_15 = arith.maximumf %add3A_13, %max3A_14 : vector<64x25088xf32>
    %eq3A = arith.constant 0 : i32
    %eq3A_16 = arith.cmpi eq, %arg2, %eq3A : i32
    %convert_element_type3A = arith.extui %eq3A_16 : i1 to i32
    %cond3A = arith.constant 0 : i32
    %cond3A_17 = arith.cmpi ne, %convert_element_type3A, %cond3A : i32
    scf.if %cond3A_17 {
      %broadcast_in_dim3A = vector.shape_cast %max3A_15 : vector<64x25088xf32> to vector<1x64x25088xf32>
      %swap3A = arith.constant 0 : index
      %swap3A_22 = arith.constant 0 : index
      %swap3A_23 = arith.constant 0 : index
      %swap3A_24 = vector.load %arg6[%swap3A, %swap3A_22, %swap3A_23] : memref<1x64x25088xf32, #tpu.memory_space<vmem>>, vector<1x64x25088xf32>
      tpu.vector_store %arg6[%swap3A, %swap3A_22, %swap3A_23], %broadcast_in_dim3A {strides = array<i32>} : memref<1x64x25088xf32, #tpu.memory_space<vmem>>, vector<1x64x25088xf32>,
    } else {
    }
    %gt3A = arith.constant 0 : i32
    %gt3A_18 = arith.cmpi sgt, %arg2, %gt3A : i32
    %convert_element_type3A_19 = arith.extui %gt3A_18 : i1 to i32
    %cond3A_20 = arith.constant 0 : i32
    %cond3A_21 = arith.cmpi ne, %convert_element_type3A_19, %cond3A_20 : i32
    scf.if %cond3A_21 {
      %get3A_22 = arith.constant 0 : index
      %get3A_23 = arith.constant 0 : index
      %get3A_24 = arith.constant 0 : index
      %get3A_25 = vector.load %arg6[%get3A_22, %get3A_23, %get3A_24] : memref<1x64x25088xf32, #tpu.memory_space<vmem>>, vector<1x64x25088xf32>
      %broadcast_in_dim3A = vector.shape_cast %max3A_15 : vector<64x25088xf32> to vector<1x64x25088xf32>
      %max3A_26 = arith.maximumf %get3A_25, %broadcast_in_dim3A : vector<1x64x25088xf32>
      %swap3A = arith.constant 0 : index
      %swap3A_27 = arith.constant 0 : index
      %swap3A_28 = arith.constant 0 : index
      %swap3A_29 = vector.load %arg6[%swap3A, %swap3A_27, %swap3A_28] : memref<1x64x25088xf32, #tpu.memory_space<vmem>>, vector<1x64x25088xf32>
      tpu.vector_store %arg6[%swap3A, %swap3A_27, %swap3A_28], %max3A_26 {strides = array<i32>} : memref<1x64x25088xf32, #tpu.memory_space<vmem>>, vector<1x64x25088xf32>,
    } else {
    }
    return
  }
  func.func @transform_0(%arg0: i32, %arg1: i32, %arg2: i32) -> (i32, i32) {
    %mul3A = arith.constant 10 : i32
    %mul3A_0 = arith.muli %arg0, %mul3A : i32
    %add3A = arith.addi %mul3A_0, %arg2 : i32
    %c0_i32 = arith.constant 0 : i32
    return %add3A, %arg1 : i32, i32
  }
  func.func @transform_1(%arg0: i32, %arg1: i32, %arg2: i32) -> (i32, i32, i32) {
    %c0_i32 = arith.constant 0 : i32
    %c0_i32_0 = arith.constant 0 : i32
    %c0_i32_1 = arith.constant 0 : i32
    return %arg0, %c0_i32, %c0_i32_0 : i32, i32, i32
  }
  func.func @transform_2(%arg0: i32, %arg1: i32, %arg2: i32) -> (i32, i32, i32) {
    %c0_i32 = arith.constant 0 : i32
    %c0_i32_0 = arith.constant 0 : i32
    %c0_i32_1 = arith.constant 0 : i32
    return %arg0, %c0_i32, %c0_i32_0 : i32, i32, i32
  }
  func.func @transform_3(%arg0: i32, %arg1: i32, %arg2: i32) -> (i32, i32, i32) {
    %c0_i32 = arith.constant 0 : i32
    %c0_i32_0 = arith.constant 0 : i32
    return %arg0, %c0_i32, %arg1 : i32, i32, i32
  }
}

module attributes {stable_mosaic.version = 14 : i64} {
  func.func @_tc_dense_body(%arg0: i32, %arg1: memref<1024x128xf32, #tpu.memory_space<vmem>>, %arg2: memref<1024x128xf32, #tpu.memory_space<vmem>>, %arg3: memref<1024x64xf32, #tpu.memory_space<vmem>>, %arg4: memref<128x64xf32, #tpu.memory_space<vmem>>, %arg5: memref<1x64xf32, #tpu.memory_space<vmem>>, %arg6: memref<128x64xf32, #tpu.memory_space<vmem>>, %arg7: memref<1x64xf32, #tpu.memory_space<vmem>>, %arg8: memref<64x192xf32, #tpu.memory_space<vmem>>, %arg9: memref<1x192xf32, #tpu.memory_space<vmem>>, %arg10: memref<64x192xf32, #tpu.memory_space<vmem>>, %arg11: memref<1x192xf32, #tpu.memory_space<vmem>>, %arg12: memref<1024x128xf32, #tpu.memory_space<vmem>>) attributes {dimension_semantics = [#tpu.dimension_semantics<arbitrary>], iteration_bounds = array<i64: 8>, scalar_prefetch = 0 : i64, scratch_operands = 0 : i64, tpu.core_type = #tpu.core_type<tc>, window_params = [{transform_indices = @transform_0, window_bounds = array<i64: 1024, 128>}, {transform_indices = @transform_1, window_bounds = array<i64: 1024, 128>}, {transform_indices = @transform_2, window_bounds = array<i64: 1024, 64>}, {pipeline_mode = #tpu.pipeline_mode<synchronous>, transform_indices = @transform_3, window_bounds = array<i64: 128, 64>}, {pipeline_mode = #tpu.pipeline_mode<synchronous>, transform_indices = @transform_4, window_bounds = array<i64: 1, 64>}, {pipeline_mode = #tpu.pipeline_mode<synchronous>, transform_indices = @transform_5, window_bounds = array<i64: 128, 64>}, {pipeline_mode = #tpu.pipeline_mode<synchronous>, transform_indices = @transform_6, window_bounds = array<i64: 1, 64>}, {pipeline_mode = #tpu.pipeline_mode<synchronous>, transform_indices = @transform_7, window_bounds = array<i64: 64, 192>}, {pipeline_mode = #tpu.pipeline_mode<synchronous>, transform_indices = @transform_8, window_bounds = array<i64: 1, 192>}, {pipeline_mode = #tpu.pipeline_mode<synchronous>, transform_indices = @transform_9, window_bounds = array<i64: 64, 192>}, {pipeline_mode = #tpu.pipeline_mode<synchronous>, transform_indices = @transform_10, window_bounds = array<i64: 1, 192>}, {transform_indices = @transform_11, window_bounds = array<i64: 1024, 128>}]} {
    %get3A = arith.constant 0 : index
    %get3A_0 = arith.constant 0 : index
    %get3A_1 = vector.load %arg3[%get3A, %get3A_0] : memref<1024x64xf32, #tpu.memory_space<vmem>>, vector<1024x64xf32>
    %get3A_2 = arith.constant 0 : index
    %get3A_3 = arith.constant 0 : index
    %get3A_4 = vector.load %arg1[%get3A_2, %get3A_3] : memref<1024x128xf32, #tpu.memory_space<vmem>>, vector<1024x64xf32>
    %concatenate3A = tpu.concatenate %get3A_1, %get3A_4 in 1 : vector<1024x64xf32>, vector<1024x64xf32> -> vector<1024x128xf32>
    %get3A_5 = arith.constant 0 : index
    %get3A_6 = arith.constant 0 : index
    %get3A_7 = vector.load %arg4[%get3A_5, %get3A_6] : memref<128x64xf32, #tpu.memory_space<vmem>>, vector<128x64xf32>
    %dot_general3A = arith.constant dense<0.000000e+00> : vector<1024x64xf32>
    %dot_general3A_8 = tpu.matmul %concatenate3A, %get3A_7, %dot_general3A {dimension_numbers = #tpu.dot_dimension_numbers<[1], [0], [0], [1], [0, 0, 1, 1], [], []>, transpose_lhs_hint = false} : vector<1024x128xf32>, vector<128x64xf32>, vector<1024x64xf32> -> vector<1024x64xf32>
    %get3A_9 = arith.constant 0 : index
    %get3A_10 = arith.constant 0 : index
    %get3A_11 = vector.load %arg5[%get3A_9, %get3A_10] : memref<1x64xf32, #tpu.memory_space<vmem>>, vector<1x64xf32>
    %add3A = vector.broadcast %get3A_11 : vector<1x64xf32> to vector<1024x64xf32>
    %add3A_12 = arith.addf %dot_general3A_8, %add3A : vector<1024x64xf32>
    %get3A_13 = arith.constant 0 : index
    %get3A_14 = arith.constant 64 : index
    %get3A_15 = vector.load %arg1[%get3A_13, %get3A_14] : memref<1024x128xf32, #tpu.memory_space<vmem>>, vector<1024x64xf32>
    %concatenate3A_16 = tpu.concatenate %add3A_12, %get3A_15 in 1 : vector<1024x64xf32>, vector<1024x64xf32> -> vector<1024x128xf32>
    %get3A_17 = arith.constant 0 : index
    %get3A_18 = arith.constant 0 : index
    %get3A_19 = vector.load %arg6[%get3A_17, %get3A_18] : memref<128x64xf32, #tpu.memory_space<vmem>>, vector<128x64xf32>
    %dot_general3A_20 = arith.constant dense<0.000000e+00> : vector<1024x64xf32>
    %dot_general3A_21 = tpu.matmul %concatenate3A_16, %get3A_19, %dot_general3A_20 {dimension_numbers = #tpu.dot_dimension_numbers<[1], [0], [0], [1], [0, 0, 1, 1], [], []>, transpose_lhs_hint = false} : vector<1024x128xf32>, vector<128x64xf32>, vector<1024x64xf32> -> vector<1024x64xf32>
    %get3A_22 = arith.constant 0 : index
    %get3A_23 = arith.constant 0 : index
    %get3A_24 = vector.load %arg7[%get3A_22, %get3A_23] : memref<1x64xf32, #tpu.memory_space<vmem>>, vector<1x64xf32>
    %add3A_25 = vector.broadcast %get3A_24 : vector<1x64xf32> to vector<1024x64xf32>
    %add3A_26 = arith.addf %dot_general3A_21, %add3A_25 : vector<1024x64xf32>
    %get3A_27 = arith.constant 0 : index
    %get3A_28 = arith.constant 0 : index
    %get3A_29 = vector.load %arg2[%get3A_27, %get3A_28] : memref<1024x128xf32, #tpu.memory_space<vmem>>, vector<1024x64xf32>
    %get3A_30 = arith.constant 0 : index
    %get3A_31 = arith.constant 0 : index
    %get3A_32 = vector.load %arg8[%get3A_30, %get3A_31] : memref<64x192xf32, #tpu.memory_space<vmem>>, vector<64x192xf32>
    %dot_general3A_33 = arith.constant dense<0.000000e+00> : vector<1024x192xf32>
    %dot_general3A_34 = tpu.matmul %add3A_26, %get3A_32, %dot_general3A_33 {dimension_numbers = #tpu.dot_dimension_numbers<[1], [0], [0], [1], [0, 0, 1, 1], [], []>, transpose_lhs_hint = false} : vector<1024x64xf32>, vector<64x192xf32>, vector<1024x192xf32> -> vector<1024x192xf32>
    %get3A_35 = arith.constant 0 : index
    %get3A_36 = arith.constant 0 : index
    %get3A_37 = vector.load %arg9[%get3A_35, %get3A_36] : memref<1x192xf32, #tpu.memory_space<vmem>>, vector<1x192xf32>
    %add3A_38 = vector.broadcast %get3A_37 : vector<1x192xf32> to vector<1024x192xf32>
    %add3A_39 = arith.addf %dot_general3A_34, %add3A_38 : vector<1024x192xf32>
    %get3A_40 = arith.constant 0 : index
    %get3A_41 = arith.constant 0 : index
    %get3A_42 = vector.load %arg10[%get3A_40, %get3A_41] : memref<64x192xf32, #tpu.memory_space<vmem>>, vector<64x192xf32>
    %dot_general3A_43 = arith.constant dense<0.000000e+00> : vector<1024x192xf32>
    %dot_general3A_44 = tpu.matmul %get3A_29, %get3A_42, %dot_general3A_43 {dimension_numbers = #tpu.dot_dimension_numbers<[1], [0], [0], [1], [0, 0, 1, 1], [], []>, transpose_lhs_hint = false} : vector<1024x64xf32>, vector<64x192xf32>, vector<1024x192xf32> -> vector<1024x192xf32>
    %get3A_45 = arith.constant 0 : index
    %get3A_46 = arith.constant 0 : index
    %get3A_47 = vector.load %arg11[%get3A_45, %get3A_46] : memref<1x192xf32, #tpu.memory_space<vmem>>, vector<1x192xf32>
    %add3A_48 = vector.broadcast %get3A_47 : vector<1x192xf32> to vector<1024x192xf32>
    %add3A_49 = arith.addf %dot_general3A_44, %add3A_48 : vector<1024x192xf32>
    %slice3A = vector.extract_strided_slice %add3A_39 {offsets = [0, 0], sizes = [1024, 64], strides = [1, 1]} : vector<1024x192xf32> to vector<1024x64xf32>
    %slice3A_50 = vector.extract_strided_slice %add3A_49 {offsets = [0, 0], sizes = [1024, 64], strides = [1, 1]} : vector<1024x192xf32> to vector<1024x64xf32>
    %add3A_51 = arith.addf %slice3A, %slice3A_50 : vector<1024x64xf32>
    %logistic3A = arith.negf %add3A_51 : vector<1024x64xf32>
    %logistic3A_52 = math.exp %logistic3A : vector<1024x64xf32>
    %logistic3A_53 = arith.constant 1.000000e+00 : f32
    %logistic3A_54 = vector.broadcast %logistic3A_53 : f32 to vector<1024x64xf32>
    %logistic3A_55 = arith.addf %logistic3A_54, %logistic3A_52 : vector<1024x64xf32>
    %logistic3A_56 = arith.divf %logistic3A_54, %logistic3A_55 : vector<1024x64xf32>
    %slice3A_57 = vector.extract_strided_slice %add3A_39 {offsets = [0, 64], sizes = [1024, 64], strides = [1, 1]} : vector<1024x192xf32> to vector<1024x64xf32>
    %slice3A_58 = vector.extract_strided_slice %add3A_49 {offsets = [0, 64], sizes = [1024, 64], strides = [1, 1]} : vector<1024x192xf32> to vector<1024x64xf32>
    %add3A_59 = arith.addf %slice3A_57, %slice3A_58 : vector<1024x64xf32>
    %logistic3A_60 = arith.negf %add3A_59 : vector<1024x64xf32>
    %logistic3A_61 = math.exp %logistic3A_60 : vector<1024x64xf32>
    %logistic3A_62 = arith.constant 1.000000e+00 : f32
    %logistic3A_63 = vector.broadcast %logistic3A_62 : f32 to vector<1024x64xf32>
    %logistic3A_64 = arith.addf %logistic3A_63, %logistic3A_61 : vector<1024x64xf32>
    %logistic3A_65 = arith.divf %logistic3A_63, %logistic3A_64 : vector<1024x64xf32>
    %slice3A_66 = vector.extract_strided_slice %add3A_39 {offsets = [0, 128], sizes = [1024, 64], strides = [1, 1]} : vector<1024x192xf32> to vector<1024x64xf32>
    %slice3A_67 = vector.extract_strided_slice %add3A_49 {offsets = [0, 128], sizes = [1024, 64], strides = [1, 1]} : vector<1024x192xf32> to vector<1024x64xf32>
    %mul3A = arith.mulf %logistic3A_56, %slice3A_67 : vector<1024x64xf32>
    %add3A_68 = arith.addf %slice3A_66, %mul3A : vector<1024x64xf32>
    %tanh3A = math.tanh %add3A_68 : vector<1024x64xf32>
    %sub3A = arith.constant 1.000000e+00 : f32
    %sub3A_69 = vector.broadcast %sub3A : f32 to vector<1024x64xf32>
    %sub3A_70 = arith.subf %sub3A_69, %logistic3A_65 : vector<1024x64xf32>
    %mul3A_71 = arith.mulf %sub3A_70, %tanh3A : vector<1024x64xf32>
    %mul3A_72 = arith.mulf %logistic3A_65, %get3A_29 : vector<1024x64xf32>
    %add3A_73 = arith.addf %mul3A_71, %mul3A_72 : vector<1024x64xf32>
    %broadcast_in_dim3A = arith.constant 0.000000e+00 : f32
    %broadcast_in_dim3A_74 = vector.broadcast %broadcast_in_dim3A : f32 to vector<1024x64xf32>
    %concatenate3A_75 = tpu.concatenate %add3A_73, %broadcast_in_dim3A_74 in 1 : vector<1024x64xf32>, vector<1024x64xf32> -> vector<1024x128xf32>
    %swap3A = arith.constant 0 : index
    %swap3A_76 = arith.constant 0 : index
    %swap3A_77 = vector.load %arg12[%swap3A, %swap3A_76] : memref<1024x128xf32, #tpu.memory_space<vmem>>, vector<1024x128xf32>
    tpu.vector_store %arg12[%swap3A, %swap3A_76], %concatenate3A_75 {strides = array<i32>} : memref<1024x128xf32, #tpu.memory_space<vmem>>, vector<1024x128xf32>,
    return
  }
  func.func @transform_0(%arg0: i32) -> (i32, i32) {
    %c0_i32 = arith.constant 0 : i32
    %c0_i32_0 = arith.constant 0 : i32
    return %arg0, %c0_i32 : i32, i32
  }
  func.func @transform_1(%arg0: i32) -> (i32, i32) {
    %c0_i32 = arith.constant 0 : i32
    %c0_i32_0 = arith.constant 0 : i32
    return %arg0, %c0_i32 : i32, i32
  }
  func.func @transform_2(%arg0: i32) -> (i32, i32) {
    %c0_i32 = arith.constant 0 : i32
    %c0_i32_0 = arith.constant 0 : i32
    return %arg0, %c0_i32 : i32, i32
  }
  func.func @transform_3(%arg0: i32) -> (i32, i32) {
    %c0_i32 = arith.constant 0 : i32
    %c0_i32_0 = arith.constant 0 : i32
    %c0_i32_1 = arith.constant 0 : i32
    return %c0_i32, %c0_i32_0 : i32, i32
  }
  func.func @transform_4(%arg0: i32) -> (i32, i32) {
    %c0_i32 = arith.constant 0 : i32
    %c0_i32_0 = arith.constant 0 : i32
    %c0_i32_1 = arith.constant 0 : i32
    return %c0_i32, %c0_i32_0 : i32, i32
  }
  func.func @transform_5(%arg0: i32) -> (i32, i32) {
    %c0_i32 = arith.constant 0 : i32
    %c0_i32_0 = arith.constant 0 : i32
    %c0_i32_1 = arith.constant 0 : i32
    return %c0_i32, %c0_i32_0 : i32, i32
  }
  func.func @transform_6(%arg0: i32) -> (i32, i32) {
    %c0_i32 = arith.constant 0 : i32
    %c0_i32_0 = arith.constant 0 : i32
    %c0_i32_1 = arith.constant 0 : i32
    return %c0_i32, %c0_i32_0 : i32, i32
  }
  func.func @transform_7(%arg0: i32) -> (i32, i32) {
    %c0_i32 = arith.constant 0 : i32
    %c0_i32_0 = arith.constant 0 : i32
    %c0_i32_1 = arith.constant 0 : i32
    return %c0_i32, %c0_i32_0 : i32, i32
  }
  func.func @transform_8(%arg0: i32) -> (i32, i32) {
    %c0_i32 = arith.constant 0 : i32
    %c0_i32_0 = arith.constant 0 : i32
    %c0_i32_1 = arith.constant 0 : i32
    return %c0_i32, %c0_i32_0 : i32, i32
  }
  func.func @transform_9(%arg0: i32) -> (i32, i32) {
    %c0_i32 = arith.constant 0 : i32
    %c0_i32_0 = arith.constant 0 : i32
    %c0_i32_1 = arith.constant 0 : i32
    return %c0_i32, %c0_i32_0 : i32, i32
  }
  func.func @transform_10(%arg0: i32) -> (i32, i32) {
    %c0_i32 = arith.constant 0 : i32
    %c0_i32_0 = arith.constant 0 : i32
    %c0_i32_1 = arith.constant 0 : i32
    return %c0_i32, %c0_i32_0 : i32, i32
  }
  func.func @transform_11(%arg0: i32) -> (i32, i32) {
    %c0_i32 = arith.constant 0 : i32
    %c0_i32_0 = arith.constant 0 : i32
    return %arg0, %c0_i32 : i32, i32
  }
}

</mosaic_0001>

<sc_bundles>
// kernel: kernel.10.cloned.1.call-start
scs
__scs_entry_jumppad:
0x0: {  	(pc) =	sbr.rel $0x88, $3  }
0x1: {  	(tag) =	ssettag $0x0;
	lr =	simm.s32 $0x1  }
0x2: {  	[smem:$0x3F95] =	sst lr;
	_ =	strace $0xD0000000  }
0x3: {  	_ = 	snop  }
0x4: {  	_ = 	snop  }
0x5: {  	_ = 	snop  }
0x6: {  	_ = 	snop  }
0x7: {  	_ = 	snop  }
__scs_overlays_trampoline_lowered:
0x8: {  	[smem:$0x3FA4] =	sst s0  }
0x9: {  	[smem:$0x3FA5] =	sst s1  }
0xa: {  	[smem:$0x3FA6] =	sst s2  }
0xb: {  	[smem:$0x3FA7] =	sst s3  }
0xc: {  	[smem:$0x3FA8] =	sst s4  }
0xd: {  	[smem:$0x3FA9] =	sst s5  }
0xe: {  	[smem:$0x3FAA] =	sst s6  }
0xf: {  	[smem:$0x3FAB] =	sst s7  }
0x10: {  	[smem:$0x3FAC] =	sst s8  }
0x11: {  	[smem:$0x3FAD] =	sst s9;
	s0 =	simm.s32 @!p0 $0x0  }
0x12: {  	s1 =	sld [smem:$0x3F93];
	s0 =	simm.s32 @p0 $0x1  }
0x13: {  	[smem:$0x3FAE] =	sst s0;
	s0 =	simm.s32 @!p1 $0x0  }
0x14: {  	s2 =	sld [smem:$0x3F92];
	s0 =	simm.s32 @p1 $0x1  }
0x15: {  	[smem:$0x3FAF] =	sst s0;
	s0 =	simm.s32 @!p2 $0x0  }
0x16: {  	s3 =	sld [smem:$0x3FDB];
	s0 =	simm.s32 @p2 $0x1  }
0x17: {  	s4 =	simm.s32 $0x1BF5;
	[smem:$0x3FB1] =	sst s0  }
0x18: {  	s0 =	sld [smem:$0x3F94];
	_ =	swait.ge [sflag:s4], $0x0  }
0x19: {  	s7 =	sld [smem:$0x3F95]  }
0x1a: {  	s8 =	sadd.s32 $0xFFFFE003, lr  }
0x1b: {  	s9 =	sadd.s32 $0xFFFFFEF7, lr;
	s5 =	simm.s32 $0xFFFFFFFF;
	p2 =	slt.u32 s8, $0xFFFFF086  }
0x1c: {  	p1 =	slt.u32 s9, $0xF7A;
	s5 =	simm.s32 @!p2 $0x0  }
0x1d: {  	s5 =	simm.s32 @p1 $0x1;
	p0 =	seq.s32 s7, s2  }
0x1e: {  	s7 =	smul.u32 @!p0 $0xF7A, s2;
	p2 =	seq.s32 @!p0 s5, $0x0  }
0x1f: {  	s9 =	smul.u32 $0xF7A, s1;
	s8 =	simm.s32 @!p0 $0x1BF5;
	p2 =	por !p2, p0  }
0x20: {  	[sflag:s8] =	ssyncset.s32 @!p0 $0xFFFFF086;
	s6 =	sadd.s32 @!p0 s3, s7;
	s7 =	simm.s32 @!p0 $0x108  }
0x21: {  	s3 =	sadd.s32 s3, s9;
	s6 =	sadd.s32 @!p0 $0x88, s6;
	s7 =	simm.s32 @p2 $0x1082  }
0x22: {  	[simem:s7], [sflag:s8] =	dma.local @!p0 [hbm:s6], $0xF7A  }
0x23: {  	s9 =	sor.u32 $0xD0000000, s2;
	s6 =	simm.s32 $0x108;
	_ =	swait.ge @!p0 [sflag:s8], $0x0  }
0x24: {  	s3 =	sadd.s32 $0x88, s3;
	s6 =	simm.s32 @!p1 $0x1082;
	[sflag:s4] =	ssyncset.s32 $0xFFFFF086  }
0x25: {  	[simem:s6], [sflag:s4] =	dma.local [hbm:s3], $0xF7A  }
0x26: {  	[smem:$0x3F95] =	sst s1;
	(tag) =	ssettag s2;
	_ =	strace s9  }
0x27: {  	s1 =	sld [smem:$0x3FA5]  }
0x28: {  	s2 =	sld [smem:$0x3FA6]  }
0x29: {  	s4 =	sld [smem:$0x3FA8]  }
0x2a: {  	p0 =	seq.s32 s5, $0x0;
	s5 =	sld [smem:$0x3FA9]  }
0x2b: {  	s6 =	sld [smem:$0x3FAA]  }
0x2c: {  	s7 =	sld [smem:$0x3FAB]  }
0x2d: {  	s3 =	simm.s32 $0x108;
	s8 =	sld [smem:$0x3FAC]  }
0x2e: {  	s3 =	simm.s32 @!p0 $0x1082;
	s9 =	sld [smem:$0x3FAD]  }
0x2f: {  	lr =	sadd.s32 s0, s3;
	s0 =	sld [smem:$0x3FA4]  }
0x30: {  	s3 =	sld [smem:$0x3FA7]  }
0x31: {  	[smem:$0x3FB0] =	sst s10  }
0x32: {  	s10 =	sld [smem:$0x3FAE];
	_ =	sdelay $0x3  }
0x33: {  	p0 =	seq.s32 s10, $0x1;
	s10 =	sld [smem:$0x3FB0];
	_ =	sdelay $0x3  }
0x34: {  	[smem:$0x3FB0] =	sst s10  }
0x35: {  	s10 =	sld [smem:$0x3FAF];
	_ =	sdelay $0x3  }
0x36: {  	p1 =	seq.s32 s10, $0x1;
	s10 =	sld [smem:$0x3FB0];
	_ =	sdelay $0x3  }
0x37: {  	[smem:$0x3FB0] =	sst s10  }
0x38: {  	s10 =	sld [smem:$0x3FB1]  }
0x39: {  	_ = 	snop;
	(pc) =	sbr.ind lr, $3  }
0x3a: {  	_ = 	snop  }
0x3b: {  	_ = 	snop  }
0x3c: {  	p2 =	seq.s32 s10, $0x1;
	s10 =	sld [smem:$0x3FB0]  }
0x3d: {  	_ =	shalt  }
0x3e: {  	_ =	shalt  }
0x3f: {  	_ =	shalt  }
0x40: {  	_ =	shalt  }
0x41: {  	_ =	shalt  }
0x42: {  	_ =	shalt  }
0x43: {  	_ =	shalt  }
0x44: {  	_ =	shalt  }
0x45: {  	_ =	shalt  }
0x46: {  	_ =	shalt  }
0x47: {  	_ =	shalt  }
0x48: {  	_ =	shalt  }
0x49: {  	_ =	shalt  }
0x4a: {  	_ =	shalt  }
0x4b: {  	_ =	shalt  }
0x4c: {  	_ =	shalt  }
0x4d: {  	_ =	shalt  }
0x4e: {  	_ =	shalt  }
0x4f: {  	_ =	shalt  }
0x50: {  	_ =	shalt  }
0x51: {  	_ =	shalt  }
0x52: {  	_ =	shalt  }
0x53: {  	_ =	shalt  }
0x54: {  	_ =	shalt  }
0x55: {  	_ =	shalt  }
0x56: {  	_ =	shalt  }
0x57: {  	_ =	shalt  }
0x58: {  	_ =	shalt  }
0x59: {  	_ =	shalt  }
0x5a: {  	_ =	shalt  }
0x5b: {  	_ =	shalt  }
0x5c: {  	_ =	shalt  }
0x5d: {  	_ =	shalt  }
0x5e: {  	_ =	shalt  }
0x5f: {  	_ =	shalt  }
0x60: {  	_ =	shalt  }
0x61: {  	_ =	shalt  }
0x62: {  	_ =	shalt  }
0x63: {  	_ =	shalt  }
0x64: {  	_ =	shalt  }
0x65: {  	_ =	shalt  }
0x66: {  	_ =	shalt  }
0x67: {  	_ =	shalt  }
0x68: {  	_ =	shalt  }
0x69: {  	_ =	shalt  }
0x6a: {  	_ =	shalt  }
0x6b: {  	_ =	shalt  }
0x6c: {  	_ =	shalt  }
0x6d: {  	_ =	shalt  }
0x6e: {  	_ =	shalt  }
0x6f: {  	_ =	shalt  }
0x70: {  	_ =	shalt  }
0x71: {  	_ =	shalt  }
0x72: {  	_ =	shalt  }
0x73: {  	_ =	shalt  }
0x74: {  	_ =	shalt  }
0x75: {  	_ =	shalt  }
0x76: {  	_ =	shalt  }
0x77: {  	_ =	shalt  }
0x78: {  	_ =	shalt  }
0x79: {  	_ =	shalt  }
0x7a: {  	_ =	shalt  }
0x7b: {  	_ =	shalt  }
0x7c: {  	_ =	shalt  }
0x7d: {  	_ =	shalt  }
0x7e: {  	_ =	shalt  }
0x7f: {  	_ =	shalt  }
0x80: {  	_ =	shalt  }
0x81: {  	_ =	shalt  }
0x82: {  	_ =	shalt  }
0x83: {  	_ =	shalt  }
0x84: {  	_ =	shalt  }
0x85: {  	_ =	shalt  }
0x86: {  	_ =	shalt  }
0x87: {  	_ =	shalt  }
.Lfunc_end0:
.L_simem_size_0:
called_computation.1_lowered:
.L_overlay_start_0:
0x88: {  	s2 =	sld [smem:$0x3FD9]  }
0x89: {  	s3 =	sld [smem:$0x3FFE];
	_ =	sdelay $0x1  }
0x8a: {  	s1 =	srdreg.scid  }
0x8b: {  	s0 =	sand.u32 $0x1, s1  }
0x8c: {  	s17 =	sshll.u32 s0, $0xA;
	s2 =	sadd.s32 s3, s2  }
0x8d: {  	s2 =	sadd.s32 s2, s17  }
0x8e: {  	[smem:$0x3FBC] =	sst s2  }
0x8f: {  	_ = 	snop  }
0x90: {  	s2 =	sld [smem:$0x3FBE]  }
0x91: {  	s18 =	sld [smem:$0x3FD0];
	(tm) =	ssettm $0x1  }
0x92: {  	s4 =	sld [smem:$0x3FFB];
	_ =	sdelay $0x3  }
0x93: {  	_ =	strace s4  }
0x94: {  	s4 =	sld [smem:$0x3FFC];
	_ =	sdelay $0x3  }
0x95: {  	_ =	strace s4  }
0x96: {  	s4 =	sld [smem:$0x3FFD];
	_ =	sdelay $0x3  }
0x97: {  	_ =	strace s4  }
0x98: {  	_ =	strace $0x8FFFFFFF  }
0x99: {  	s19 =	sld [smem:$0x3FDB];
	_ =	sdelay $0x1  }
0x9a: {  	s5 =	simm.s32 $_scs_section_size  }
0x9b: {  	s6 =	simm.s32 $_size__tile_overlayer_lowered;
	s7 =	simm.s32 $_tile_overlayer_lowered  }
0x9c: {  	s22 =	simm.s32 $0x1BFF;
	s21 =	sshll.u32 s7, $0x1;
	s4 =	sadd.s32 s5, s19  }
0x9d: {  	s8 =	simm.s32 $0x0;
	s20 =	sshll.u32 s6, $0x1;
	s6 =	sadd.s32 s21, s4  }
0x9e: {  	[timem:s8], [sflag:s22] =	dma.local [hbm:s6], s20  }
0x9f: {  	_ =	swait.ge [sflag:s22], s20  }
0xa0: {  	s5 =	ssub.s32 $0x0, s20;
	[sflag:s22] =	ssyncset.done $0x0  }
0xa1: {  	[sflag:s22] =	ssyncadd.s32 s5;
	_ =	sdelay $0x1  }
0xa2: {  	s23 =	simm.s32 $0x1B8B  }
0xa3: {  	_ =	swait.ge [sflag:s23], $0x1  }
0xa4: {  	[sflag:s23] =	ssyncset.done $0x0  }
0xa5: {  	s25 =	simm.s32 $0x1B8E;
	s24 =	sld [smem:$0x3FFE];
	[sflag:s23] =	ssyncadd.s32 $0xFFFFFFFF  }
0xa6: {  	s26 =	simm.s32 $execute0_lowered;
	[smem:$0x3FD2] =	sst s25  }
0xa7: {  	s6 =	sshll.u32 s26, $0x1;
	_ =	strace $0x80000049;
	[dreg:$0x1] =	wrdreg $0xFFFFFFFF  }
0xa8: {  	s28 =	simm.s32 $_size_execute0_lowered;
	s4 =	sadd.s32 s4, s6;
	[dreg:$0x0] =	wrdreg $0x0  }
0xa9: {  	s6 =	sshll.u32 s28, $0x1;
	[dreg:$0x2] =	wrdreg s4  }
0xaa: {  	[dreg:$0x3] =	wrdreg s6  }
0xab: {  	[dreg:$0x4] =	wrdreg $0xC0  }
0xac: {  	_ =	task [dreg:s8], $0x5FFFF  }
0xad: {  	[dreg:$0x1] =	wrdreg $0xFFFFFFFF  }
0xae: {  	[dreg:$0x0] =	wrdreg $0x60  }
0xaf: {  	[dreg:$0x2] =	wrdreg s24  }
0xb0: {  	[dreg:$0x3] =	wrdreg s2  }
0xb1: {  	[dreg:$0x4] =	wrdreg s18  }
0xb2: {  	[dreg:$0x5] =	wrdreg $0x9  }
0xb3: {  	_ =	task.clear_ibuf [dreg:s8], $0x6FFFF;
	_ =	strace $0x90000049  }
0xb4: {  	s29 =	simm.s32 $0x9;
	_ =	strace $0x8000004B  }
0xb5: {  	_ =	swait.ge [sflag:s29], $0x1  }
0xb6: {  	[sflag:s29] =	ssyncadd.s32 $0xFFFFFFFF  }
0xb7: {  	_ =	strace $0x9000004B  }
0xb8: {  	_ =	sfence  }
0xb9: {  	s30 =	sld [smem:$0x0];
	_ =	sdelay $0x2  }
0xba: {  	s31 =	sshll.u32 s1, $0xD;
	s1 =	sshrl.u32 s1, $0x2  }
0xbb: {  	s3 =	sand.u32 $0x4000, s31;
	s1 =	sadd.s32 s1, s30  }
0xbc: {  	s0 =	sor.u32 s3, s0;
	s1 =	sshll.u32 s1, $0x11  }
0xbd: {  	s0 =	sor.u32 s1, s0  }
0xbe: {  	s0 =	sadd.s32 $0x8F2B, s0  }
0xbf: {  	[sflag:s0] =	ssyncadd.remote.s32 $0x1  }
0xc0: {  	_ =	sfence.sel $0xFFFF  }
0xc1: {  	[dreg:$0x0] =	wrdreg $0xFFFFFFFF;
	(pc) =	sbr.abs _section_cstart, $3  }
0xc2: {  	[dreg:$0x1] =	wrdreg $0xFFFFFFFF  }
0xc3: {  	_ =	task.clear_ibuf [dreg:s8], $0x2FFFF;
	_ =	strace $0x9FFFFFFF  }
0xc4: {  	(tm) =	ssettm $0x7FFFFFFF  }
0xc5: {  	_ =	shalt  }
tec
execute0_lowered:
.L_overlay_start_1:
0x0: {  	(tag) =	ssettag $0x1  }
0x1: {  	s13 =	rddreg [dreg:$0x0];
	s1 =	srdreg.scid  }
0x2: {  	s20 =	rddreg [dreg:$0x1];
	s0 =	stileid.u32;
	s22 =	sand.u32 $0x1, s1  }
0x3: {  	s21 =	rddreg [dreg:$0x2];
	s3 =	sshll.u32 s0, $0x9;
	s4 =	sshll.u32 s22, $0x8  }
0x4: {  	s2 =	simm.s32 $0x0;
	s1 =	rddreg [dreg:$0x3];
	s23 =	sor.u32 s4, s3  }
0x5: {  	[smem:$0x7FF] =	sst s2;
	s3 =	sshrl.u32 s23, $0x3  }
0x6: {  	_ =	strace $0x8000004A;
	s4 =	sadd.s32 s20, s3;
	s3 =	simm.s32 $0x3  }
0x7: {  	[tilespmem:s2], [sflag:$0x3] =	stream.linear.gather [hbm4b:s4+s2], $0x40, $0x38;
	[tilespmem:$0x4080] =	vst v63  }
0x8: {  	_ =	swait.ge [sflag:s3], $0x40  }
0x9: {  	s6 =	simm.s32 $0x40;
	[sflag:s3] =	ssyncset.done $0x0  }
0xa: {  	s7 =	simm.s32 $0x80;
	s5 =	sadd.s32 $0x189C00, s13;
	[sflag:s3] =	ssyncadd.s32 $0xFFFFFFC0  }
0xb: {  	[tilespmem:s7], [sflag:$0x1] =	stream.indirect.gather [hbm4b:s5+s6], $0x80, s2, s6, $0xb8;
	[tilespmem:$0x4080] =	vst v63  }
0xc: {  	s9 =	simm.s32 $0x2080;
	s10 =	simm.s32 $0x1;
	s8 =	sadd.s32 $0x2E00, s13  }
0xd: {  	[tilespmem:s9], [sflag:$0x2] =	stream.indirect.gather [hbm4b:s8+s6], $0x80, s2, s6, $0xb8;
	[tilespmem:$0x4080] =	vst v63  }
0xe: {  	_ =	swait.ge [sflag:s10], $0x2000  }
0xf: {  	[sflag:s10] =	ssyncset.done $0x0  }
0x10: {  	s11 =	simm.s32 $0x2;
	[sflag:s10] =	ssyncadd.s32 $0xFFFFE000  }
0x11: {  	_ =	swait.ge [sflag:s11], $0x2000  }
0x12: {  	s14 =	sshll.u32 s23, $0x4;
	[sflag:s11] =	ssyncset.done $0x0  }
0x13: {  	s12 =	sadd.s32 s21, s14;
	[sflag:s11] =	ssyncadd.s32 $0xFFFFE000  }
0x14: {  	[hbm4b:s12+s2] =	stream.linear.scatter [tilespmem:s7], [sflag:$0x3], $0x2000, $0x38;
	[tilespmem:$0x4080] =	vst v63  }
0x15: {  	_ =	swait.ge [sflag:s3], $0x2000  }
0x16: {  	s24 =	sadd.s32 $0xC6400, s13;
	[sflag:s3] =	ssyncset.done $0x0  }
0x17: {  	s13 =	sadd.s32 s24, s14;
	[sflag:s3] =	ssyncadd.s32 $0xFFFFE000  }
0x18: {  	[hbm4b:s13+s2] =	stream.linear.scatter [tilespmem:s9], [sflag:$0x3], $0x2000, $0x38;
	[tilespmem:$0x4080] =	vst v63  }
0x19: {  	s15 =	sor.u32 $0x40, s23;
	_ =	swait.ge [sflag:s3], $0x2000  }
0x1a: {  	s29 =	sshrl.u32 s15, $0x3;
	[sflag:s3] =	ssyncset.done $0x0  }
0x1b: {  	s14 =	sadd.s32 s20, s29;
	[sflag:s3] =	ssyncadd.s32 $0xFFFFE000  }
0x1c: {  	[tilespmem:s2], [sflag:$0x3] =	stream.linear.gather [hbm4b:s14+s2], $0x40, $0x38;
	[tilespmem:$0x4080] =	vst v63  }
0x1d: {  	_ =	swait.ge [sflag:s3], $0x40  }
0x1e: {  	[sflag:s3] =	ssyncset.done $0x0  }
0x1f: {  	[sflag:s3] =	ssyncadd.s32 $0xFFFFFFC0  }
0x20: {  	[tilespmem:s7], [sflag:$0x1] =	stream.indirect.gather [hbm4b:s5+s6], $0x80, s2, s6, $0xb8;
	[tilespmem:$0x4080] =	vst v63  }
0x21: {  	_ = 	snop  }
0x22: {  	[tilespmem:s9], [sflag:$0x2] =	stream.indirect.gather [hbm4b:s8+s6], $0x80, s2, s6, $0xb8;
	[tilespmem:$0x4080] =	vst v63  }
0x23: {  	_ =	swait.ge [sflag:s10], $0x2000  }
0x24: {  	[sflag:s10] =	ssyncset.done $0x0  }
0x25: {  	[sflag:s10] =	ssyncadd.s32 $0xFFFFE000  }
0x26: {  	_ =	swait.ge [sflag:s11], $0x2000  }
0x27: {  	s16 =	sshll.u32 s15, $0x4;
	[sflag:s11] =	ssyncset.done $0x0  }
0x28: {  	s15 =	sadd.s32 s21, s16;
	[sflag:s11] =	ssyncadd.s32 $0xFFFFE000  }
0x29: {  	[hbm4b:s15+s2] =	stream.linear.scatter [tilespmem:s7], [sflag:$0x3], $0x2000, $0x38;
	[tilespmem:$0x4080] =	vst v63  }
0x2a: {  	_ =	swait.ge [sflag:s3], $0x2000  }
0x2b: {  	[sflag:s3] =	ssyncset.done $0x0  }
0x2c: {  	s16 =	sadd.s32 s24, s16;
	[sflag:s3] =	ssyncadd.s32 $0xFFFFE000  }
0x2d: {  	[hbm4b:s16+s2] =	stream.linear.scatter [tilespmem:s9], [sflag:$0x3], $0x2000, $0x38;
	[tilespmem:$0x4080] =	vst v63  }
0x2e: {  	s18 =	sor.u32 $0x80, s23;
	_ =	swait.ge [sflag:s3], $0x2000  }
0x2f: {  	s17 =	sshrl.u32 s18, $0x3;
	[sflag:s3] =	ssyncset.done $0x0  }
0x30: {  	s17 =	sadd.s32 s20, s17;
	[sflag:s3] =	ssyncadd.s32 $0xFFFFE000  }
0x31: {  	[tilespmem:s2], [sflag:$0x3] =	stream.linear.gather [hbm4b:s17+s2], $0x40, $0x38;
	[tilespmem:$0x4080] =	vst v63  }
0x32: {  	_ =	swait.ge [sflag:s3], $0x40  }
0x33: {  	[sflag:s3] =	ssyncset.done $0x0  }
0x34: {  	[sflag:s3] =	ssyncadd.s32 $0xFFFFFFC0  }
0x35: {  	[tilespmem:s7], [sflag:$0x1] =	stream.indirect.gather [hbm4b:s5+s6], $0x80, s2, s6, $0xb8;
	[tilespmem:$0x4080] =	vst v63  }
0x36: {  	_ = 	snop  }
0x37: {  	[tilespmem:s9], [sflag:$0x2] =	stream.indirect.gather [hbm4b:s8+s6], $0x80, s2, s6, $0xb8;
	[tilespmem:$0x4080] =	vst v63  }
0x38: {  	_ =	swait.ge [sflag:s10], $0x2000  }
0x39: {  	[sflag:s10] =	ssyncset.done $0x0  }
0x3a: {  	[sflag:s10] =	ssyncadd.s32 $0xFFFFE000  }
0x3b: {  	_ =	swait.ge [sflag:s11], $0x2000  }
0x3c: {  	s19 =	sshll.u32 s18, $0x4;
	[sflag:s11] =	ssyncset.done $0x0  }
0x3d: {  	s18 =	sadd.s32 s21, s19;
	[sflag:s11] =	ssyncadd.s32 $0xFFFFE000  }
0x3e: {  	[hbm4b:s18+s2] =	stream.linear.scatter [tilespmem:s7], [sflag:$0x3], $0x2000, $0x38;
	[tilespmem:$0x4080] =	vst v63  }
0x3f: {  	_ =	swait.ge [sflag:s3], $0x2000  }
0x40: {  	[sflag:s3] =	ssyncset.done $0x0  }
0x41: {  	s19 =	sadd.s32 s24, s19;
	[sflag:s3] =	ssyncadd.s32 $0xFFFFE000  }
0x42: {  	[hbm4b:s19+s2] =	stream.linear.scatter [tilespmem:s9], [sflag:$0x3], $0x2000, $0x38;
	[tilespmem:$0x4080] =	vst v63  }
0x43: {  	s23 =	sor.u32 $0xC0, s23;
	_ =	swait.ge [sflag:s3], $0x2000  }
0x44: {  	s25 =	sshrl.u32 s23, $0x3;
	[sflag:s3] =	ssyncset.done $0x0  }
0x45: {  	s20 =	sadd.s32 s20, s25;
	[sflag:s3] =	ssyncadd.s32 $0xFFFFE000  }
0x46: {  	[tilespmem:s2], [sflag:$0x3] =	stream.linear.gather [hbm4b:s20+s2], $0x40, $0x38;
	[tilespmem:$0x4080] =	vst v63  }
0x47: {  	_ =	swait.ge [sflag:s3], $0x40  }
0x48: {  	[sflag:s3] =	ssyncset.done $0x0  }
0x49: {  	[sflag:s3] =	ssyncadd.s32 $0xFFFFFFC0  }
0x4a: {  	[tilespmem:s7], [sflag:$0x1] =	stream.indirect.gather [hbm4b:s5+s6], $0x80, s2, s6, $0xb8;
	[tilespmem:$0x4080] =	vst v63  }
0x4b: {  	_ = 	snop  }
0x4c: {  	[tilespmem:s9], [sflag:$0x2] =	stream.indirect.gather [hbm4b:s8+s6], $0x80, s2, s6, $0xb8;
	[tilespmem:$0x4080] =	vst v63  }
0x4d: {  	_ =	swait.ge [sflag:s10], $0x2000  }
0x4e: {  	[sflag:s10] =	ssyncset.done $0x0  }
0x4f: {  	s22 =	ssub.s32 $0x2, s22;
	[sflag:s10] =	ssyncadd.s32 $0xFFFFE000  }
0x50: {  	s30 =	sshrl.u32 s22, $0x1;
	_ =	swait.ge [sflag:s11], $0x2000  }
0x51: {  	s23 =	sshll.u32 s23, $0x4;
	s25 =	ssub.s32 s22, s30;
	[sflag:s11] =	ssyncset.done $0x0  }
0x52: {  	s21 =	sadd.s32 s21, s23;
	s31 =	smax.u32 s25, $0x1;
	[sflag:s11] =	ssyncadd.s32 $0xFFFFE000  }
0x53: {  	[hbm4b:s21+s2] =	stream.linear.scatter [tilespmem:s7], [sflag:$0x3], $0x2000, $0x38;
	[tilespmem:$0x4080] =	vst v63  }
0x54: {  	p0 =	sne.s32 s31, $0x1;
	_ =	swait.ge [sflag:s3], $0x2000  }
.Ltmp0:
0x55: {  	[sflag:s3] =	ssyncset.done $0x0;
	(pc) =	sbr.rel @!p0 .LBB2_2-.Ltmp0, $4  }
0x56: {  	s22 =	sadd.s32 s24, s23;
	[sflag:s3] =	ssyncadd.s32 $0xFFFFE000  }
0x57: {  	[hbm4b:s22+s2] =	stream.linear.scatter [tilespmem:s9], [sflag:$0x3], $0x2000, $0x38;
	[tilespmem:$0x4080] =	vst v63  }
0x58: {  	_ =	swait.ge [sflag:s3], $0x2000  }
0x59: {  	s23 =	sadd.s32 $0xFFFFFFFF, s31;
	[sflag:s3] =	ssyncset.done $0x0  }
.LBB2_1:
0x5a: {  	p0 =	sne.s32 s23, $0x1;
	s23 =	sadd.s32 $0xFFFFFFFF, s23;
	[sflag:s3] =	ssyncadd.s32 $0xFFFFE000  }
0x5b: {  	[tilespmem:s2], [sflag:$0x3] =	stream.linear.gather [hbm4b:s4+s2], $0x40, $0x38;
	[tilespmem:$0x4080] =	vst v63  }
0x5c: {  	_ =	swait.ge [sflag:s3], $0x40  }
0x5d: {  	[sflag:s3] =	ssyncset.done $0x0  }
0x5e: {  	[sflag:s3] =	ssyncadd.s32 $0xFFFFFFC0  }
0x5f: {  	[tilespmem:s7], [sflag:$0x1] =	stream.indirect.gather [hbm4b:s5+s6], $0x80, s2, s6, $0xb8;
	[tilespmem:$0x4080] =	vst v63  }
0x60: {  	_ = 	snop  }
0x61: {  	[tilespmem:s9], [sflag:$0x2] =	stream.indirect.gather [hbm4b:s8+s6], $0x80, s2, s6, $0xb8;
	[tilespmem:$0x4080] =	vst v63  }
0x62: {  	_ =	swait.ge [sflag:s10], $0x2000  }
0x63: {  	[sflag:s10] =	ssyncset.done $0x0  }
0x64: {  	[sflag:s10] =	ssyncadd.s32 $0xFFFFE000  }
0x65: {  	_ =	swait.ge [sflag:s11], $0x2000  }
0x66: {  	[sflag:s11] =	ssyncset.done $0x0  }
0x67: {  	[sflag:s11] =	ssyncadd.s32 $0xFFFFE000  }
0x68: {  	[hbm4b:s12+s2] =	stream.linear.scatter [tilespmem:s7], [sflag:$0x3], $0x2000, $0x38;
	[tilespmem:$0x4080] =	vst v63  }
0x69: {  	_ =	swait.ge [sflag:s3], $0x2000  }
0x6a: {  	[sflag:s3] =	ssyncset.done $0x0  }
0x6b: {  	[sflag:s3] =	ssyncadd.s32 $0xFFFFE000  }
0x6c: {  	[hbm4b:s13+s2] =	stream.linear.scatter [tilespmem:s9], [sflag:$0x3], $0x2000, $0x38;
	[tilespmem:$0x4080] =	vst v63  }
0x6d: {  	_ =	swait.ge [sflag:s3], $0x2000  }
0x6e: {  	[sflag:s3] =	ssyncset.done $0x0  }
0x6f: {  	[sflag:s3] =	ssyncadd.s32 $0xFFFFE000  }
0x70: {  	[tilespmem:s2], [sflag:$0x3] =	stream.linear.gather [hbm4b:s14+s2], $0x40, $0x38;
	[tilespmem:$0x4080] =	vst v63  }
0x71: {  	_ =	swait.ge [sflag:s3], $0x40  }
0x72: {  	[sflag:s3] =	ssyncset.done $0x0  }
0x73: {  	[sflag:s3] =	ssyncadd.s32 $0xFFFFFFC0  }
0x74: {  	[tilespmem:s7], [sflag:$0x1] =	stream.indirect.gather [hbm4b:s5+s6], $0x80, s2, s6, $0xb8;
	[tilespmem:$0x4080] =	vst v63  }
0x75: {  	_ = 	snop  }
0x76: {  	[tilespmem:s9], [sflag:$0x2] =	stream.indirect.gather [hbm4b:s8+s6], $0x80, s2, s6, $0xb8;
	[tilespmem:$0x4080] =	vst v63  }
0x77: {  	_ =	swait.ge [sflag:s10], $0x2000  }
0x78: {  	[sflag:s10] =	ssyncset.done $0x0  }
0x79: {  	[sflag:s10] =	ssyncadd.s32 $0xFFFFE000  }
0x7a: {  	_ =	swait.ge [sflag:s11], $0x2000  }
0x7b: {  	[sflag:s11] =	ssyncset.done $0x0  }
0x7c: {  	[sflag:s11] =	ssyncadd.s32 $0xFFFFE000  }
0x7d: {  	[hbm4b:s15+s2] =	stream.linear.scatter [tilespmem:s7], [sflag:$0x3], $0x2000, $0x38;
	[tilespmem:$0x4080] =	vst v63  }
0x7e: {  	_ =	swait.ge [sflag:s3], $0x2000  }
0x7f: {  	[sflag:s3] =	ssyncset.done $0x0  }
0x80: {  	[sflag:s3] =	ssyncadd.s32 $0xFFFFE000  }
0x81: {  	[hbm4b:s16+s2] =	stream.linear.scatter [tilespmem:s9], [sflag:$0x3], $0x2000, $0x38;
	[tilespmem:$0x4080] =	vst v63  }
0x82: {  	_ =	swait.ge [sflag:s3], $0x2000  }
0x83: {  	[sflag:s3] =	ssyncset.done $0x0  }
0x84: {  	[sflag:s3] =	ssyncadd.s32 $0xFFFFE000  }
0x85: {  	[tilespmem:s2], [sflag:$0x3] =	stream.linear.gather [hbm4b:s17+s2], $0x40, $0x38;
	[tilespmem:$0x4080] =	vst v63  }
0x86: {  	_ =	swait.ge [sflag:s3], $0x40  }
0x87: {  	[sflag:s3] =	ssyncset.done $0x0  }
0x88: {  	[sflag:s3] =	ssyncadd.s32 $0xFFFFFFC0  }
0x89: {  	[tilespmem:s7], [sflag:$0x1] =	stream.indirect.gather [hbm4b:s5+s6], $0x80, s2, s6, $0xb8;
	[tilespmem:$0x4080] =	vst v63  }
0x8a: {  	_ = 	snop  }
0x8b: {  	[tilespmem:s9], [sflag:$0x2] =	stream.indirect.gather [hbm4b:s8+s6], $0x80, s2, s6, $0xb8;
	[tilespmem:$0x4080] =	vst v63  }
0x8c: {  	_ =	swait.ge [sflag:s10], $0x2000  }
0x8d: {  	[sflag:s10] =	ssyncset.done $0x0  }
0x8e: {  	[sflag:s10] =	ssyncadd.s32 $0xFFFFE000  }
0x8f: {  	_ =	swait.ge [sflag:s11], $0x2000  }
0x90: {  	[sflag:s11] =	ssyncset.done $0x0  }
0x91: {  	[sflag:s11] =	ssyncadd.s32 $0xFFFFE000  }
0x92: {  	[hbm4b:s18+s2] =	stream.linear.scatter [tilespmem:s7], [sflag:$0x3], $0x2000, $0x38;
	[tilespmem:$0x4080] =	vst v63  }
0x93: {  	_ =	swait.ge [sflag:s3], $0x2000  }
0x94: {  	[sflag:s3] =	ssyncset.done $0x0  }
0x95: {  	[sflag:s3] =	ssyncadd.s32 $0xFFFFE000  }
0x96: {  	[hbm4b:s19+s2] =	stream.linear.scatter [tilespmem:s9], [sflag:$0x3], $0x2000, $0x38;
	[tilespmem:$0x4080] =	vst v63  }
0x97: {  	_ =	swait.ge [sflag:s3], $0x2000  }
0x98: {  	[sflag:s3] =	ssyncset.done $0x0  }
0x99: {  	[sflag:s3] =	ssyncadd.s32 $0xFFFFE000  }
0x9a: {  	[tilespmem:s2], [sflag:$0x3] =	stream.linear.gather [hbm4b:s20+s2], $0x40, $0x38;
	[tilespmem:$0x4080] =	vst v63  }
0x9b: {  	_ =	swait.ge [sflag:s3], $0x40  }
0x9c: {  	[sflag:s3] =	ssyncset.done $0x0  }
0x9d: {  	[sflag:s3] =	ssyncadd.s32 $0xFFFFFFC0  }
0x9e: {  	[tilespmem:s7], [sflag:$0x1] =	stream.indirect.gather [hbm4b:s5+s6], $0x80, s2, s6, $0xb8;
	[tilespmem:$0x4080] =	vst v63  }
0x9f: {  	_ = 	snop  }
0xa0: {  	[tilespmem:s9], [sflag:$0x2] =	stream.indirect.gather [hbm4b:s8+s6], $0x80, s2, s6, $0xb8;
	[tilespmem:$0x4080] =	vst v63  }
0xa1: {  	_ =	swait.ge [sflag:s10], $0x2000  }
0xa2: {  	[sflag:s10] =	ssyncset.done $0x0  }
0xa3: {  	[sflag:s10] =	ssyncadd.s32 $0xFFFFE000  }
0xa4: {  	_ =	swait.ge [sflag:s11], $0x2000  }
0xa5: {  	[sflag:s11] =	ssyncset.done $0x0  }
0xa6: {  	[sflag:s11] =	ssyncadd.s32 $0xFFFFE000  }
0xa7: {  	[hbm4b:s21+s2] =	stream.linear.scatter [tilespmem:s7], [sflag:$0x3], $0x2000, $0x38;
	[tilespmem:$0x4080] =	vst v63  }
0xa8: {  	_ =	swait.ge [sflag:s3], $0x2000  }
.Ltmp1:
0xa9: {  	[sflag:s3] =	ssyncset.done $0x0;
	(pc) =	sbr.rel @p0 .LBB2_1-.Ltmp1, $4  }
0xaa: {  	[sflag:s3] =	ssyncadd.s32 $0xFFFFE000  }
0xab: {  	[hbm4b:s22+s2] =	stream.linear.scatter [tilespmem:s9], [sflag:$0x3], $0x2000, $0x38;
	[tilespmem:$0x4080] =	vst v63  }
0xac: {  	_ =	swait.ge [sflag:s3], $0x2000  }
0xad: {  	[sflag:s3] =	ssyncset.done $0x0  }
.LBB2_2:
0xae: {  	[sflag:s3] =	ssyncadd.s32 $0xFFFFE000  }
0xaf: {  	_ =	sfence.sel $0x180000  }
0xb0: {  	[bflag:$0x0] =	sbarrier.arrive $0xFFFF  }
0xb1: {  	p0 =	sne.s32 s0, $0x0;
	_ =	strace $0x9000004A  }
0xb2: {  	s0 =	sadd.s32 @!p0 $0x100000, s1;
	[bflag:$0x2] =	sbarrier.arrive $0xFFFF  }
0xb3: {  	[sflag:s0] =	ssyncadd.tile.s32 @!p0 $0x1;
	_ =	shalt  }
.Lfunc_end2:
_tile_overlayer_lowered:
.L_overlay_start_2:
0xb4: {  	(tag) =	ssettag $0x2  }
0xb5: {  	s0 =	rddreg [dreg:$0x0];
	s2 =	stileid.u32  }
0xb6: {  	s1 =	rddreg [dreg:$0x1];
	p0 =	sne.s32 s2, $0x0  }
0xb7: {  	s3 =	rddreg [dreg:$0x2];
	[bflag:$0x3] =	sbarrier.arrive $0xFFFF;
	s2 =	simm.s32 @!p0 $0x1C03  }
0xb8: {  	[timem:s3], [sflag:s2] =	dma.local @!p0 [hbm:s0], s1  }
0xb9: {  	s0 =	simm.s32 @!p0 $0x3  }
0xba: {  	_ =	swait.ge @!p0 [sflag:s0], s1  }
0xbb: {  	s1 =	ssub.s32 @!p0 $0x0, s1;
	[sflag:s0] =	ssyncset.done @!p0 $0x0  }
0xbc: {  	[sflag:s0] =	ssyncadd.s32 @!p0 s1  }
0xbd: {  	[bflag:$0x3] =	sbarrier.arrive $0xFFFF  }
0xbe: {  	_ =	shalt  }

// kernel: kernel.13.cloned.1.call-start
scs
__scs_entry_jumppad:
0x0: {  	(pc) =	sbr.rel $0x88, $3  }
0x1: {  	(tag) =	ssettag $0x0;
	lr =	simm.s32 $0x1  }
0x2: {  	[smem:$0x3F95] =	sst lr;
	_ =	strace $0xD0000000  }
0x3: {  	_ = 	snop  }
0x4: {  	_ = 	snop  }
0x5: {  	_ = 	snop  }
0x6: {  	_ = 	snop  }
0x7: {  	_ = 	snop  }
__scs_overlays_trampoline_lowered:
0x8: {  	[smem:$0x3FA4] =	sst s0  }
0x9: {  	[smem:$0x3FA5] =	sst s1  }
0xa: {  	[smem:$0x3FA6] =	sst s2  }
0xb: {  	[smem:$0x3FA7] =	sst s3  }
0xc: {  	[smem:$0x3FA8] =	sst s4  }
0xd: {  	[smem:$0x3FA9] =	sst s5  }
0xe: {  	[smem:$0x3FAA] =	sst s6  }
0xf: {  	[smem:$0x3FAB] =	sst s7  }
0x10: {  	[smem:$0x3FAC] =	sst s8  }
0x11: {  	[smem:$0x3FAD] =	sst s9;
	s0 =	simm.s32 @!p0 $0x0  }
0x12: {  	s1 =	sld [smem:$0x3F93];
	s0 =	simm.s32 @p0 $0x1  }
0x13: {  	[smem:$0x3FAE] =	sst s0;
	s0 =	simm.s32 @!p1 $0x0  }
0x14: {  	s2 =	sld [smem:$0x3F92];
	s0 =	simm.s32 @p1 $0x1  }
0x15: {  	[smem:$0x3FAF] =	sst s0;
	s0 =	simm.s32 @!p2 $0x0  }
0x16: {  	s3 =	sld [smem:$0x3FDB];
	s0 =	simm.s32 @p2 $0x1  }
0x17: {  	s4 =	simm.s32 $0x1BF5;
	[smem:$0x3FB1] =	sst s0  }
0x18: {  	s0 =	sld [smem:$0x3F94];
	_ =	swait.ge [sflag:s4], $0x0  }
0x19: {  	s7 =	sld [smem:$0x3F95]  }
0x1a: {  	s8 =	sadd.s32 $0xFFFFE003, lr  }
0x1b: {  	s9 =	sadd.s32 $0xFFFFFEF7, lr;
	s5 =	simm.s32 $0xFFFFFFFF;
	p2 =	slt.u32 s8, $0xFFFFF086  }
0x1c: {  	p1 =	slt.u32 s9, $0xF7A;
	s5 =	simm.s32 @!p2 $0x0  }
0x1d: {  	s5 =	simm.s32 @p1 $0x1;
	p0 =	seq.s32 s7, s2  }
0x1e: {  	s7 =	smul.u32 @!p0 $0xF7A, s2;
	p2 =	seq.s32 @!p0 s5, $0x0  }
0x1f: {  	s9 =	smul.u32 $0xF7A, s1;
	s8 =	simm.s32 @!p0 $0x1BF5;
	p2 =	por !p2, p0  }
0x20: {  	[sflag:s8] =	ssyncset.s32 @!p0 $0xFFFFF086;
	s6 =	sadd.s32 @!p0 s3, s7;
	s7 =	simm.s32 @!p0 $0x108  }
0x21: {  	s3 =	sadd.s32 s3, s9;
	s6 =	sadd.s32 @!p0 $0x88, s6;
	s7 =	simm.s32 @p2 $0x1082  }
0x22: {  	[simem:s7], [sflag:s8] =	dma.local @!p0 [hbm:s6], $0xF7A  }
0x23: {  	s9 =	sor.u32 $0xD0000000, s2;
	s6 =	simm.s32 $0x108;
	_ =	swait.ge @!p0 [sflag:s8], $0x0  }
0x24: {  	s3 =	sadd.s32 $0x88, s3;
	s6 =	simm.s32 @!p1 $0x1082;
	[sflag:s4] =	ssyncset.s32 $0xFFFFF086  }
0x25: {  	[simem:s6], [sflag:s4] =	dma.local [hbm:s3], $0xF7A  }
0x26: {  	[smem:$0x3F95] =	sst s1;
	(tag) =	ssettag s2;
	_ =	strace s9  }
0x27: {  	s1 =	sld [smem:$0x3FA5]  }
0x28: {  	s2 =	sld [smem:$0x3FA6]  }
0x29: {  	s4 =	sld [smem:$0x3FA8]  }
0x2a: {  	p0 =	seq.s32 s5, $0x0;
	s5 =	sld [smem:$0x3FA9]  }
0x2b: {  	s6 =	sld [smem:$0x3FAA]  }
0x2c: {  	s7 =	sld [smem:$0x3FAB]  }
0x2d: {  	s3 =	simm.s32 $0x108;
	s8 =	sld [smem:$0x3FAC]  }
0x2e: {  	s3 =	simm.s32 @!p0 $0x1082;
	s9 =	sld [smem:$0x3FAD]  }
0x2f: {  	lr =	sadd.s32 s0, s3;
	s0 =	sld [smem:$0x3FA4]  }
0x30: {  	s3 =	sld [smem:$0x3FA7]  }
0x31: {  	[smem:$0x3FB0] =	sst s10  }
0x32: {  	s10 =	sld [smem:$0x3FAE];
	_ =	sdelay $0x3  }
0x33: {  	p0 =	seq.s32 s10, $0x1;
	s10 =	sld [smem:$0x3FB0];
	_ =	sdelay $0x3  }
0x34: {  	[smem:$0x3FB0] =	sst s10  }
0x35: {  	s10 =	sld [smem:$0x3FAF];
	_ =	sdelay $0x3  }
0x36: {  	p1 =	seq.s32 s10, $0x1;
	s10 =	sld [smem:$0x3FB0];
	_ =	sdelay $0x3  }
0x37: {  	[smem:$0x3FB0] =	sst s10  }
0x38: {  	s10 =	sld [smem:$0x3FB1]  }
0x39: {  	_ = 	snop;
	(pc) =	sbr.ind lr, $3  }
0x3a: {  	_ = 	snop  }
0x3b: {  	_ = 	snop  }
0x3c: {  	p2 =	seq.s32 s10, $0x1;
	s10 =	sld [smem:$0x3FB0]  }
0x3d: {  	_ =	shalt  }
0x3e: {  	_ =	shalt  }
0x3f: {  	_ =	shalt  }
0x40: {  	_ =	shalt  }
0x41: {  	_ =	shalt  }
0x42: {  	_ =	shalt  }
0x43: {  	_ =	shalt  }
0x44: {  	_ =	shalt  }
0x45: {  	_ =	shalt  }
0x46: {  	_ =	shalt  }
0x47: {  	_ =	shalt  }
0x48: {  	_ =	shalt  }
0x49: {  	_ =	shalt  }
0x4a: {  	_ =	shalt  }
0x4b: {  	_ =	shalt  }
0x4c: {  	_ =	shalt  }
0x4d: {  	_ =	shalt  }
0x4e: {  	_ =	shalt  }
0x4f: {  	_ =	shalt  }
0x50: {  	_ =	shalt  }
0x51: {  	_ =	shalt  }
0x52: {  	_ =	shalt  }
0x53: {  	_ =	shalt  }
0x54: {  	_ =	shalt  }
0x55: {  	_ =	shalt  }
0x56: {  	_ =	shalt  }
0x57: {  	_ =	shalt  }
0x58: {  	_ =	shalt  }
0x59: {  	_ =	shalt  }
0x5a: {  	_ =	shalt  }
0x5b: {  	_ =	shalt  }
0x5c: {  	_ =	shalt  }
0x5d: {  	_ =	shalt  }
0x5e: {  	_ =	shalt  }
0x5f: {  	_ =	shalt  }
0x60: {  	_ =	shalt  }
0x61: {  	_ =	shalt  }
0x62: {  	_ =	shalt  }
0x63: {  	_ =	shalt  }
0x64: {  	_ =	shalt  }
0x65: {  	_ =	shalt  }
0x66: {  	_ =	shalt  }
0x67: {  	_ =	shalt  }
0x68: {  	_ =	shalt  }
0x69: {  	_ =	shalt  }
0x6a: {  	_ =	shalt  }
0x6b: {  	_ =	shalt  }
0x6c: {  	_ =	shalt  }
0x6d: {  	_ =	shalt  }
0x6e: {  	_ =	shalt  }
0x6f: {  	_ =	shalt  }
0x70: {  	_ =	shalt  }
0x71: {  	_ =	shalt  }
0x72: {  	_ =	shalt  }
0x73: {  	_ =	shalt  }
0x74: {  	_ =	shalt  }
0x75: {  	_ =	shalt  }
0x76: {  	_ =	shalt  }
0x77: {  	_ =	shalt  }
0x78: {  	_ =	shalt  }
0x79: {  	_ =	shalt  }
0x7a: {  	_ =	shalt  }
0x7b: {  	_ =	shalt  }
0x7c: {  	_ =	shalt  }
0x7d: {  	_ =	shalt  }
0x7e: {  	_ =	shalt  }
0x7f: {  	_ =	shalt  }
0x80: {  	_ =	shalt  }
0x81: {  	_ =	shalt  }
0x82: {  	_ =	shalt  }
0x83: {  	_ =	shalt  }
0x84: {  	_ =	shalt  }
0x85: {  	_ =	shalt  }
0x86: {  	_ =	shalt  }
0x87: {  	_ =	shalt  }
.Lfunc_end0:
.L_simem_size_0:
called_computation.2_lowered:
.L_overlay_start_0:
0x88: {  	s2 =	sld [smem:$0x3FD9]  }
0x89: {  	s3 =	sld [smem:$0x3FFE];
	_ =	sdelay $0x1  }
0x8a: {  	s1 =	srdreg.scid  }
0x8b: {  	s0 =	sand.u32 $0x1, s1  }
0x8c: {  	s17 =	sshll.u32 s0, $0xA;
	s2 =	sadd.s32 s3, s2  }
0x8d: {  	s2 =	sadd.s32 s2, s17  }
0x8e: {  	[smem:$0x3FBC] =	sst s2  }
0x8f: {  	_ = 	snop  }
0x90: {  	s2 =	sld [smem:$0x3FBE]  }
0x91: {  	s18 =	sld [smem:$0x3FD0];
	(tm) =	ssettm $0x1  }
0x92: {  	s4 =	sld [smem:$0x3FFB];
	_ =	sdelay $0x3  }
0x93: {  	_ =	strace s4  }
0x94: {  	s4 =	sld [smem:$0x3FFC];
	_ =	sdelay $0x3  }
0x95: {  	_ =	strace s4  }
0x96: {  	s4 =	sld [smem:$0x3FFD];
	_ =	sdelay $0x3  }
0x97: {  	_ =	strace s4  }
0x98: {  	_ =	strace $0x8FFFFFFF  }
0x99: {  	s19 =	sld [smem:$0x3FDB];
	_ =	sdelay $0x1  }
0x9a: {  	s5 =	simm.s32 $_scs_section_size  }
0x9b: {  	s6 =	simm.s32 $_size__tile_overlayer_lowered;
	s7 =	simm.s32 $_tile_overlayer_lowered  }
0x9c: {  	s22 =	simm.s32 $0x1BFF;
	s21 =	sshll.u32 s7, $0x1;
	s4 =	sadd.s32 s5, s19  }
0x9d: {  	s8 =	simm.s32 $0x0;
	s20 =	sshll.u32 s6, $0x1;
	s6 =	sadd.s32 s21, s4  }
0x9e: {  	[timem:s8], [sflag:s22] =	dma.local [hbm:s6], s20  }
0x9f: {  	_ =	swait.ge [sflag:s22], s20  }
0xa0: {  	s5 =	ssub.s32 $0x0, s20;
	[sflag:s22] =	ssyncset.done $0x0  }
0xa1: {  	[sflag:s22] =	ssyncadd.s32 s5;
	_ =	sdelay $0x1  }
0xa2: {  	s23 =	simm.s32 $0x1B8B  }
0xa3: {  	_ =	swait.ge [sflag:s23], $0x1  }
0xa4: {  	[sflag:s23] =	ssyncset.done $0x0  }
0xa5: {  	s25 =	simm.s32 $0x1B8E;
	s24 =	sld [smem:$0x3FFE];
	[sflag:s23] =	ssyncadd.s32 $0xFFFFFFFF  }
0xa6: {  	s26 =	simm.s32 $execute0_lowered;
	[smem:$0x3FD2] =	sst s25  }
0xa7: {  	s6 =	sshll.u32 s26, $0x1;
	_ =	strace $0x8000004C;
	[dreg:$0x1] =	wrdreg $0xFFFFFFFF  }
0xa8: {  	s28 =	simm.s32 $_size_execute0_lowered;
	s4 =	sadd.s32 s4, s6;
	[dreg:$0x0] =	wrdreg $0x0  }
0xa9: {  	s6 =	sshll.u32 s28, $0x1;
	[dreg:$0x2] =	wrdreg s4  }
0xaa: {  	[dreg:$0x3] =	wrdreg s6  }
0xab: {  	[dreg:$0x4] =	wrdreg $0xC0  }
0xac: {  	_ =	task [dreg:s8], $0x5FFFF  }
0xad: {  	[dreg:$0x1] =	wrdreg $0xFFFFFFFF  }
0xae: {  	[dreg:$0x0] =	wrdreg $0x60  }
0xaf: {  	[dreg:$0x2] =	wrdreg s18  }
0xb0: {  	[dreg:$0x3] =	wrdreg s24  }
0xb1: {  	[dreg:$0x4] =	wrdreg s2  }
0xb2: {  	[dreg:$0x5] =	wrdreg $0x9  }
0xb3: {  	_ =	task.clear_ibuf [dreg:s8], $0x6FFFF;
	_ =	strace $0x9000004C  }
0xb4: {  	s29 =	simm.s32 $0x9;
	_ =	strace $0x8000004E  }
0xb5: {  	_ =	swait.ge [sflag:s29], $0x1  }
0xb6: {  	[sflag:s29] =	ssyncadd.s32 $0xFFFFFFFF  }
0xb7: {  	_ =	strace $0x9000004E  }
0xb8: {  	_ =	sfence  }
0xb9: {  	s30 =	sld [smem:$0x0];
	_ =	sdelay $0x2  }
0xba: {  	s31 =	sshll.u32 s1, $0xD;
	s1 =	sshrl.u32 s1, $0x2  }
0xbb: {  	s3 =	sand.u32 $0x4000, s31;
	s1 =	sadd.s32 s1, s30  }
0xbc: {  	s0 =	sor.u32 s3, s0;
	s1 =	sshll.u32 s1, $0x11  }
0xbd: {  	s0 =	sor.u32 s1, s0  }
0xbe: {  	s0 =	sadd.s32 $0x8F2B, s0  }
0xbf: {  	[sflag:s0] =	ssyncadd.remote.s32 $0x1  }
0xc0: {  	_ =	sfence.sel $0xFFFF  }
0xc1: {  	[dreg:$0x0] =	wrdreg $0xFFFFFFFF;
	(pc) =	sbr.abs _section_cstart, $3  }
0xc2: {  	[dreg:$0x1] =	wrdreg $0xFFFFFFFF  }
0xc3: {  	_ =	task.clear_ibuf [dreg:s8], $0x2FFFF;
	_ =	strace $0x9FFFFFFF  }
0xc4: {  	(tm) =	ssettm $0x7FFFFFFF  }
0xc5: {  	_ =	shalt  }
tec
execute0_lowered:
.L_overlay_start_1:
0x0: {  	(tag) =	ssettag $0x1  }
0x1: {  	s1 =	rddreg [dreg:$0x0]  }
0x2: {  	s10 =	rddreg [dreg:$0x1]  }
0x3: {  	s12 =	rddreg [dreg:$0x2]  }
0x4: {  	s0 =	rddreg [dreg:$0x3];
	s4 =	srdreg.scid  }
0x5: {  	s3 =	simm.s32 $0x0;
	s2 =	stileid.u32;
	s13 =	sand.u32 $0x1, s4  }
0x6: {  	s6 =	simm.s32 $0x2;
	s30 =	sshll.u32 s2, $0x6;
	s5 =	sshll.u32 s13, $0x5  }
0x7: {  	[smem:$0x7FF] =	sst s3;
	s11 =	sadd.s32 $0x2A00, s10;
	s14 =	sor.u32 s5, s30  }
0x8: {  	_ =	strace $0x8000004D;
	s5 =	simm.s32 $0x80;
	s4 =	sadd.s32 s11, s14  }
0x9: {  	[tilespmem:s5], [sflag:$0x2] =	stream.linear.gather [hbm4b:s4+s3], $0x80, $0x38;
	[tilespmem:$0x4100] =	vst v63  }
0xa: {  	_ =	swait.ge [sflag:s6], $0x80  }
0xb: {  	[sflag:s6] =	ssyncset.done $0x0  }
0xc: {  	s7 =	sadd.s32 s12, s14;
	[sflag:s6] =	ssyncadd.s32 $0xFFFFFF80  }
0xd: {  	[tilespmem:s3], [sflag:$0x2] =	stream.linear.gather [hbm4b:s7+s3], $0x80, $0x38;
	[tilespmem:$0x4100] =	vst v63  }
0xe: {  	_ =	swait.ge [sflag:s6], $0x80  }
0xf: {  	[sflag:s6] =	ssyncset.done $0x0  }
0x10: {  	s9 =	simm.s32 $0x100;
	s8 =	simm.s32 $0x1;
	[sflag:s6] =	ssyncadd.s32 $0xFFFFFF80  }
0x11: {  	[tilespmem:s9], [sflag:$0x1] =	stream.indirect.gather [hbm4b:s1+s5], $0x80, s5, s5, $0xb8;
	[tilespmem:$0x4100] =	vst v63  }
0x12: {  	_ =	swait.ge [sflag:s8], $0x4000  }
0x13: {  	[sflag:s8] =	ssyncset.done $0x0  }
0x14: {  	s10 =	sadd.s32 $0x2E00, s10;
	[sflag:s8] =	ssyncadd.s32 $0xFFFFC000  }
0x15: {  	[hbm4b:s10+s5] =	stream.indirect.scatter [tilespmem:s9], [sflag:$0x1], $0x80, s3, s5, $0xb8;
	[tilespmem:$0x4100] =	vst v63  }
0x16: {  	_ =	swait.ge [sflag:s8], $0x4000  }
0x17: {  	s14 =	sor.u32 $0x10, s14;
	[sflag:s8] =	ssyncset.done $0x0  }
0x18: {  	s11 =	sadd.s32 s11, s14;
	[sflag:s8] =	ssyncadd.s32 $0xFFFFC000  }
0x19: {  	[tilespmem:s5], [sflag:$0x2] =	stream.linear.gather [hbm4b:s11+s3], $0x80, $0x38;
	[tilespmem:$0x4100] =	vst v63  }
0x1a: {  	_ =	swait.ge [sflag:s6], $0x80  }
0x1b: {  	[sflag:s6] =	ssyncset.done $0x0  }
0x1c: {  	s13 =	ssub.s32 $0x2, s13;
	s12 =	sadd.s32 s12, s14;
	[sflag:s6] =	ssyncadd.s32 $0xFFFFFF80  }
0x1d: {  	[tilespmem:s3], [sflag:$0x2] =	stream.linear.gather [hbm4b:s12+s3], $0x80, $0x38;
	[tilespmem:$0x4100] =	vst v63  }
0x1e: {  	s31 =	sshrl.u32 s13, $0x1;
	_ =	swait.ge [sflag:s6], $0x80  }
0x1f: {  	s13 =	ssub.s32 s13, s31;
	[sflag:s6] =	ssyncset.done $0x0  }
0x20: {  	s13 =	smax.u32 s13, $0x1;
	[sflag:s6] =	ssyncadd.s32 $0xFFFFFF80  }
0x21: {  	[tilespmem:s9], [sflag:$0x1] =	stream.indirect.gather [hbm4b:s1+s5], $0x80, s5, s5, $0xb8;
	[tilespmem:$0x4100] =	vst v63  }
0x22: {  	p0 =	sne.s32 s13, $0x1;
	_ =	swait.ge [sflag:s8], $0x4000  }
.Ltmp0:
0x23: {  	[sflag:s8] =	ssyncset.done $0x0;
	(pc) =	sbr.rel @!p0 .LBB2_2-.Ltmp0, $4  }
0x24: {  	[sflag:s8] =	ssyncadd.s32 $0xFFFFC000  }
0x25: {  	[hbm4b:s10+s5] =	stream.indirect.scatter [tilespmem:s9], [sflag:$0x1], $0x80, s3, s5, $0xb8;
	[tilespmem:$0x4100] =	vst v63  }
0x26: {  	_ =	swait.ge [sflag:s8], $0x4000  }
0x27: {  	s13 =	sadd.s32 $0xFFFFFFFF, s13;
	[sflag:s8] =	ssyncset.done $0x0  }
.LBB2_1:
0x28: {  	p0 =	sne.s32 s13, $0x1;
	s13 =	sadd.s32 $0xFFFFFFFF, s13;
	[sflag:s8] =	ssyncadd.s32 $0xFFFFC000  }
0x29: {  	[tilespmem:s5], [sflag:$0x2] =	stream.linear.gather [hbm4b:s4+s3], $0x80, $0x38;
	[tilespmem:$0x4100] =	vst v63  }
0x2a: {  	_ =	swait.ge [sflag:s6], $0x80  }
0x2b: {  	[sflag:s6] =	ssyncset.done $0x0  }
0x2c: {  	[sflag:s6] =	ssyncadd.s32 $0xFFFFFF80  }
0x2d: {  	[tilespmem:s3], [sflag:$0x2] =	stream.linear.gather [hbm4b:s7+s3], $0x80, $0x38;
	[tilespmem:$0x4100] =	vst v63  }
0x2e: {  	_ =	swait.ge [sflag:s6], $0x80  }
0x2f: {  	[sflag:s6] =	ssyncset.done $0x0  }
0x30: {  	[sflag:s6] =	ssyncadd.s32 $0xFFFFFF80  }
0x31: {  	[tilespmem:s9], [sflag:$0x1] =	stream.indirect.gather [hbm4b:s1+s5], $0x80, s5, s5, $0xb8;
	[tilespmem:$0x4100] =	vst v63  }
0x32: {  	_ =	swait.ge [sflag:s8], $0x4000  }
0x33: {  	[sflag:s8] =	ssyncset.done $0x0  }
0x34: {  	[sflag:s8] =	ssyncadd.s32 $0xFFFFC000  }
0x35: {  	[hbm4b:s10+s5] =	stream.indirect.scatter [tilespmem:s9], [sflag:$0x1], $0x80, s3, s5, $0xb8;
	[tilespmem:$0x4100] =	vst v63  }
0x36: {  	_ =	swait.ge [sflag:s8], $0x4000  }
0x37: {  	[sflag:s8] =	ssyncset.done $0x0  }
0x38: {  	[sflag:s8] =	ssyncadd.s32 $0xFFFFC000  }
0x39: {  	[tilespmem:s5], [sflag:$0x2] =	stream.linear.gather [hbm4b:s11+s3], $0x80, $0x38;
	[tilespmem:$0x4100] =	vst v63  }
0x3a: {  	_ =	swait.ge [sflag:s6], $0x80  }
0x3b: {  	[sflag:s6] =	ssyncset.done $0x0  }
0x3c: {  	[sflag:s6] =	ssyncadd.s32 $0xFFFFFF80  }
0x3d: {  	[tilespmem:s3], [sflag:$0x2] =	stream.linear.gather [hbm4b:s12+s3], $0x80, $0x38;
	[tilespmem:$0x4100] =	vst v63  }
0x3e: {  	_ =	swait.ge [sflag:s6], $0x80  }
0x3f: {  	[sflag:s6] =	ssyncset.done $0x0  }
0x40: {  	[sflag:s6] =	ssyncadd.s32 $0xFFFFFF80  }
0x41: {  	[tilespmem:s9], [sflag:$0x1] =	stream.indirect.gather [hbm4b:s1+s5], $0x80, s5, s5, $0xb8;
	[tilespmem:$0x4100] =	vst v63  }
0x42: {  	_ =	swait.ge [sflag:s8], $0x4000  }
.Ltmp1:
0x43: {  	[sflag:s8] =	ssyncset.done $0x0;
	(pc) =	sbr.rel @p0 .LBB2_1-.Ltmp1, $4  }
0x44: {  	[sflag:s8] =	ssyncadd.s32 $0xFFFFC000  }
0x45: {  	[hbm4b:s10+s5] =	stream.indirect.scatter [tilespmem:s9], [sflag:$0x1], $0x80, s3, s5, $0xb8;
	[tilespmem:$0x4100] =	vst v63  }
0x46: {  	_ =	swait.ge [sflag:s8], $0x4000  }
0x47: {  	[sflag:s8] =	ssyncset.done $0x0  }
.LBB2_2:
0x48: {  	[sflag:s8] =	ssyncadd.s32 $0xFFFFC000  }
0x49: {  	_ =	sfence.sel $0x180000  }
0x4a: {  	[bflag:$0x0] =	sbarrier.arrive $0xFFFF  }
0x4b: {  	p0 =	sne.s32 s2, $0x0;
	_ =	strace $0x9000004D  }
0x4c: {  	s0 =	sadd.s32 @!p0 $0x100000, s0;
	[bflag:$0x2] =	sbarrier.arrive $0xFFFF  }
0x4d: {  	[sflag:s0] =	ssyncadd.tile.s32 @!p0 $0x1;
	_ =	shalt  }
.Lfunc_end2:
_tile_overlayer_lowered:
.L_overlay_start_2:
0x4e: {  	(tag) =	ssettag $0x2  }
0x4f: {  	s0 =	rddreg [dreg:$0x0];
	s2 =	stileid.u32  }
0x50: {  	s1 =	rddreg [dreg:$0x1];
	p0 =	sne.s32 s2, $0x0  }
0x51: {  	s3 =	rddreg [dreg:$0x2];
	[bflag:$0x3] =	sbarrier.arrive $0xFFFF;
	s2 =	simm.s32 @!p0 $0x1C02  }
0x52: {  	[timem:s3], [sflag:s2] =	dma.local @!p0 [hbm:s0], s1  }
0x53: {  	s0 =	simm.s32 @!p0 $0x2  }
0x54: {  	_ =	swait.ge @!p0 [sflag:s0], s1  }
0x55: {  	s1 =	ssub.s32 @!p0 $0x0, s1;
	[sflag:s0] =	ssyncset.done @!p0 $0x0  }
0x56: {  	[sflag:s0] =	ssyncadd.s32 @!p0 s1  }
0x57: {  	[bflag:$0x3] =	sbarrier.arrive $0xFFFF  }
0x58: {  	_ =	shalt  }

// kernel: kernel.7.cloned.1.call-start
scs
__scs_entry_jumppad:
0x0: {  	(pc) =	sbr.rel $0x88, $3  }
0x1: {  	(tag) =	ssettag $0x0;
	lr =	simm.s32 $0x1  }
0x2: {  	[smem:$0x3F95] =	sst lr;
	_ =	strace $0xD0000000  }
0x3: {  	_ = 	snop  }
0x4: {  	_ = 	snop  }
0x5: {  	_ = 	snop  }
0x6: {  	_ = 	snop  }
0x7: {  	_ = 	snop  }
__scs_overlays_trampoline_lowered:
0x8: {  	[smem:$0x3FA4] =	sst s0  }
0x9: {  	[smem:$0x3FA5] =	sst s1  }
0xa: {  	[smem:$0x3FA6] =	sst s2  }
0xb: {  	[smem:$0x3FA7] =	sst s3  }
0xc: {  	[smem:$0x3FA8] =	sst s4  }
0xd: {  	[smem:$0x3FA9] =	sst s5  }
0xe: {  	[smem:$0x3FAA] =	sst s6  }
0xf: {  	[smem:$0x3FAB] =	sst s7  }
0x10: {  	[smem:$0x3FAC] =	sst s8  }
0x11: {  	[smem:$0x3FAD] =	sst s9;
	s0 =	simm.s32 @!p0 $0x0  }
0x12: {  	s1 =	sld [smem:$0x3F93];
	s0 =	simm.s32 @p0 $0x1  }
0x13: {  	[smem:$0x3FAE] =	sst s0;
	s0 =	simm.s32 @!p1 $0x0  }
0x14: {  	s2 =	sld [smem:$0x3F92];
	s0 =	simm.s32 @p1 $0x1  }
0x15: {  	[smem:$0x3FAF] =	sst s0;
	s0 =	simm.s32 @!p2 $0x0  }
0x16: {  	s3 =	sld [smem:$0x3FDB];
	s0 =	simm.s32 @p2 $0x1  }
0x17: {  	s4 =	simm.s32 $0x1BF5;
	[smem:$0x3FB1] =	sst s0  }
0x18: {  	s0 =	sld [smem:$0x3F94];
	_ =	swait.ge [sflag:s4], $0x0  }
0x19: {  	s7 =	sld [smem:$0x3F95]  }
0x1a: {  	s8 =	sadd.s32 $0xFFFFE003, lr  }
0x1b: {  	s9 =	sadd.s32 $0xFFFFFEF7, lr;
	s5 =	simm.s32 $0xFFFFFFFF;
	p2 =	slt.u32 s8, $0xFFFFF086  }
0x1c: {  	p1 =	slt.u32 s9, $0xF7A;
	s5 =	simm.s32 @!p2 $0x0  }
0x1d: {  	s5 =	simm.s32 @p1 $0x1;
	p0 =	seq.s32 s7, s2  }
0x1e: {  	s7 =	smul.u32 @!p0 $0xF7A, s2;
	p2 =	seq.s32 @!p0 s5, $0x0  }
0x1f: {  	s9 =	smul.u32 $0xF7A, s1;
	s8 =	simm.s32 @!p0 $0x1BF5;
	p2 =	por !p2, p0  }
0x20: {  	[sflag:s8] =	ssyncset.s32 @!p0 $0xFFFFF086;
	s6 =	sadd.s32 @!p0 s3, s7;
	s7 =	simm.s32 @!p0 $0x108  }
0x21: {  	s3 =	sadd.s32 s3, s9;
	s6 =	sadd.s32 @!p0 $0x88, s6;
	s7 =	simm.s32 @p2 $0x1082  }
0x22: {  	[simem:s7], [sflag:s8] =	dma.local @!p0 [hbm:s6], $0xF7A  }
0x23: {  	s9 =	sor.u32 $0xD0000000, s2;
	s6 =	simm.s32 $0x108;
	_ =	swait.ge @!p0 [sflag:s8], $0x0  }
0x24: {  	s3 =	sadd.s32 $0x88, s3;
	s6 =	simm.s32 @!p1 $0x1082;
	[sflag:s4] =	ssyncset.s32 $0xFFFFF086  }
0x25: {  	[simem:s6], [sflag:s4] =	dma.local [hbm:s3], $0xF7A  }
0x26: {  	[smem:$0x3F95] =	sst s1;
	(tag) =	ssettag s2;
	_ =	strace s9  }
0x27: {  	s1 =	sld [smem:$0x3FA5]  }
0x28: {  	s2 =	sld [smem:$0x3FA6]  }
0x29: {  	s4 =	sld [smem:$0x3FA8]  }
0x2a: {  	p0 =	seq.s32 s5, $0x0;
	s5 =	sld [smem:$0x3FA9]  }
0x2b: {  	s6 =	sld [smem:$0x3FAA]  }
0x2c: {  	s7 =	sld [smem:$0x3FAB]  }
0x2d: {  	s3 =	simm.s32 $0x108;
	s8 =	sld [smem:$0x3FAC]  }
0x2e: {  	s3 =	simm.s32 @!p0 $0x1082;
	s9 =	sld [smem:$0x3FAD]  }
0x2f: {  	lr =	sadd.s32 s0, s3;
	s0 =	sld [smem:$0x3FA4]  }
0x30: {  	s3 =	sld [smem:$0x3FA7]  }
0x31: {  	[smem:$0x3FB0] =	sst s10  }
0x32: {  	s10 =	sld [smem:$0x3FAE];
	_ =	sdelay $0x3  }
0x33: {  	p0 =	seq.s32 s10, $0x1;
	s10 =	sld [smem:$0x3FB0];
	_ =	sdelay $0x3  }
0x34: {  	[smem:$0x3FB0] =	sst s10  }
0x35: {  	s10 =	sld [smem:$0x3FAF];
	_ =	sdelay $0x3  }
0x36: {  	p1 =	seq.s32 s10, $0x1;
	s10 =	sld [smem:$0x3FB0];
	_ =	sdelay $0x3  }
0x37: {  	[smem:$0x3FB0] =	sst s10  }
0x38: {  	s10 =	sld [smem:$0x3FB1]  }
0x39: {  	_ = 	snop;
	(pc) =	sbr.ind lr, $3  }
0x3a: {  	_ = 	snop  }
0x3b: {  	_ = 	snop  }
0x3c: {  	p2 =	seq.s32 s10, $0x1;
	s10 =	sld [smem:$0x3FB0]  }
0x3d: {  	_ =	shalt  }
0x3e: {  	_ =	shalt  }
0x3f: {  	_ =	shalt  }
0x40: {  	_ =	shalt  }
0x41: {  	_ =	shalt  }
0x42: {  	_ =	shalt  }
0x43: {  	_ =	shalt  }
0x44: {  	_ =	shalt  }
0x45: {  	_ =	shalt  }
0x46: {  	_ =	shalt  }
0x47: {  	_ =	shalt  }
0x48: {  	_ =	shalt  }
0x49: {  	_ =	shalt  }
0x4a: {  	_ =	shalt  }
0x4b: {  	_ =	shalt  }
0x4c: {  	_ =	shalt  }
0x4d: {  	_ =	shalt  }
0x4e: {  	_ =	shalt  }
0x4f: {  	_ =	shalt  }
0x50: {  	_ =	shalt  }
0x51: {  	_ =	shalt  }
0x52: {  	_ =	shalt  }
0x53: {  	_ =	shalt  }
0x54: {  	_ =	shalt  }
0x55: {  	_ =	shalt  }
0x56: {  	_ =	shalt  }
0x57: {  	_ =	shalt  }
0x58: {  	_ =	shalt  }
0x59: {  	_ =	shalt  }
0x5a: {  	_ =	shalt  }
0x5b: {  	_ =	shalt  }
0x5c: {  	_ =	shalt  }
0x5d: {  	_ =	shalt  }
0x5e: {  	_ =	shalt  }
0x5f: {  	_ =	shalt  }
0x60: {  	_ =	shalt  }
0x61: {  	_ =	shalt  }
0x62: {  	_ =	shalt  }
0x63: {  	_ =	shalt  }
0x64: {  	_ =	shalt  }
0x65: {  	_ =	shalt  }
0x66: {  	_ =	shalt  }
0x67: {  	_ =	shalt  }
0x68: {  	_ =	shalt  }
0x69: {  	_ =	shalt  }
0x6a: {  	_ =	shalt  }
0x6b: {  	_ =	shalt  }
0x6c: {  	_ =	shalt  }
0x6d: {  	_ =	shalt  }
0x6e: {  	_ =	shalt  }
0x6f: {  	_ =	shalt  }
0x70: {  	_ =	shalt  }
0x71: {  	_ =	shalt  }
0x72: {  	_ =	shalt  }
0x73: {  	_ =	shalt  }
0x74: {  	_ =	shalt  }
0x75: {  	_ =	shalt  }
0x76: {  	_ =	shalt  }
0x77: {  	_ =	shalt  }
0x78: {  	_ =	shalt  }
0x79: {  	_ =	shalt  }
0x7a: {  	_ =	shalt  }
0x7b: {  	_ =	shalt  }
0x7c: {  	_ =	shalt  }
0x7d: {  	_ =	shalt  }
0x7e: {  	_ =	shalt  }
0x7f: {  	_ =	shalt  }
0x80: {  	_ =	shalt  }
0x81: {  	_ =	shalt  }
0x82: {  	_ =	shalt  }
0x83: {  	_ =	shalt  }
0x84: {  	_ =	shalt  }
0x85: {  	_ =	shalt  }
0x86: {  	_ =	shalt  }
0x87: {  	_ =	shalt  }
.Lfunc_end0:
.L_simem_size_0:
called_computation_lowered:
.L_overlay_start_0:
0x88: {  	s2 =	sld [smem:$0x3FD9]  }
0x89: {  	s3 =	sld [smem:$0x3FFE];
	_ =	sdelay $0x1  }
0x8a: {  	s1 =	srdreg.scid  }
0x8b: {  	s0 =	sand.u32 $0x1, s1  }
0x8c: {  	s17 =	sshll.u32 s0, $0xA;
	s2 =	sadd.s32 s3, s2  }
0x8d: {  	s2 =	sadd.s32 s2, s17  }
0x8e: {  	[smem:$0x3FBC] =	sst s2  }
0x8f: {  	_ = 	snop  }
0x90: {  	s2 =	sld [smem:$0x3FBE];
	(tm) =	ssettm $0x1  }
0x91: {  	s18 =	sld [smem:$0x3FFB];
	_ =	sdelay $0x3  }
0x92: {  	_ =	strace s18  }
0x93: {  	s3 =	sld [smem:$0x3FFC];
	_ =	sdelay $0x3  }
0x94: {  	_ =	strace s3  }
0x95: {  	s3 =	sld [smem:$0x3FFD];
	_ =	sdelay $0x3  }
0x96: {  	_ =	strace s3  }
0x97: {  	_ =	strace $0x8FFFFFFF  }
0x98: {  	s19 =	sld [smem:$0x3FDB];
	_ =	sdelay $0x1  }
0x99: {  	s4 =	simm.s32 $_scs_section_size  }
0x9a: {  	s5 =	simm.s32 $_size__tile_overlayer_lowered;
	s6 =	simm.s32 $_tile_overlayer_lowered  }
0x9b: {  	s22 =	simm.s32 $0x1BFF;
	s21 =	sshll.u32 s6, $0x1;
	s3 =	sadd.s32 s4, s19  }
0x9c: {  	s7 =	simm.s32 $0x0;
	s20 =	sshll.u32 s5, $0x1;
	s5 =	sadd.s32 s21, s3  }
0x9d: {  	[timem:s7], [sflag:s22] =	dma.local [hbm:s5], s20  }
0x9e: {  	_ =	swait.ge [sflag:s22], s20  }
0x9f: {  	s4 =	ssub.s32 $0x0, s20;
	[sflag:s22] =	ssyncset.done $0x0  }
0xa0: {  	[sflag:s22] =	ssyncadd.s32 s4;
	_ =	sdelay $0x1  }
0xa1: {  	s23 =	simm.s32 $0x1B8B  }
0xa2: {  	_ =	swait.ge [sflag:s23], $0x1  }
0xa3: {  	[sflag:s23] =	ssyncset.done $0x0  }
0xa4: {  	s25 =	simm.s32 $0x1B8E;
	s24 =	sld [smem:$0x3FFE];
	[sflag:s23] =	ssyncadd.s32 $0xFFFFFFFF  }
0xa5: {  	s26 =	simm.s32 $execute0_lowered;
	[smem:$0x3FD2] =	sst s25  }
0xa6: {  	s5 =	sshll.u32 s26, $0x1;
	_ =	strace $0x80000046;
	[dreg:$0x1] =	wrdreg $0xFFFFFFFF  }
0xa7: {  	s28 =	simm.s32 $_size_execute0_lowered;
	s3 =	sadd.s32 s3, s5;
	[dreg:$0x0] =	wrdreg $0x0  }
0xa8: {  	s5 =	sshll.u32 s28, $0x1;
	[dreg:$0x2] =	wrdreg s3  }
0xa9: {  	[dreg:$0x3] =	wrdreg s5  }
0xaa: {  	[dreg:$0x4] =	wrdreg $0xC0  }
0xab: {  	_ =	task [dreg:s7], $0x5FFFF  }
0xac: {  	[dreg:$0x1] =	wrdreg $0xFFFFFFFF  }
0xad: {  	[dreg:$0x0] =	wrdreg $0x60  }
0xae: {  	[dreg:$0x2] =	wrdreg s2  }
0xaf: {  	[dreg:$0x3] =	wrdreg s24  }
0xb0: {  	[dreg:$0x4] =	wrdreg $0x9  }
0xb1: {  	_ =	task.clear_ibuf [dreg:s7], $0x5FFFF;
	_ =	strace $0x90000046  }
0xb2: {  	s29 =	simm.s32 $0x9;
	_ =	strace $0x80000048  }
0xb3: {  	_ =	swait.ge [sflag:s29], $0x1  }
0xb4: {  	[sflag:s29] =	ssyncadd.s32 $0xFFFFFFFF  }
0xb5: {  	_ =	strace $0x90000048  }
0xb6: {  	_ =	sfence  }
0xb7: {  	s30 =	sld [smem:$0x0];
	_ =	sdelay $0x2  }
0xb8: {  	s31 =	sshll.u32 s1, $0xD;
	s1 =	sshrl.u32 s1, $0x2  }
0xb9: {  	s3 =	sand.u32 $0x4000, s31;
	s1 =	sadd.s32 s1, s30  }
0xba: {  	s0 =	sor.u32 s3, s0;
	s1 =	sshll.u32 s1, $0x11  }
0xbb: {  	s0 =	sor.u32 s1, s0  }
0xbc: {  	s0 =	sadd.s32 $0x8F2B, s0  }
0xbd: {  	[sflag:s0] =	ssyncadd.remote.s32 $0x1  }
0xbe: {  	_ =	sfence.sel $0xFFFF  }
0xbf: {  	[dreg:$0x0] =	wrdreg $0xFFFFFFFF;
	(pc) =	sbr.abs _section_cstart, $3  }
0xc0: {  	[dreg:$0x1] =	wrdreg $0xFFFFFFFF  }
0xc1: {  	_ =	task.clear_ibuf [dreg:s7], $0x2FFFF;
	_ =	strace $0x9FFFFFFF  }
0xc2: {  	(tm) =	ssettm $0x7FFFFFFF  }
0xc3: {  	_ =	shalt  }
tec
execute0_lowered:
.L_overlay_start_1:
0x0: {  	(tag) =	ssettag $0x1  }
0x1: {  	s0 =	srdreg.scid  }
0x2: {  	s3 =	sand.u32 $0x1, s0;
	s0 =	stileid.u32  }
0x3: {  	s5 =	sshll.u32 s0, $0x1;
	s6 =	ssub.s32 $0x0, s3  }
0x4: {  	p0 =	sne.s32 s5, s6  }
.Ltmp0:
0x5: {  	_ = 	snop;
	(pc) =	sbr.rel @p0 .LBB2_7-.Ltmp0, $4  }
0x6: {  	_ = 	snop  }
0x7: {  	s2 =	rddreg [dreg:$0x0]  }
0x8: {  	s4 =	rddreg [dreg:$0x1]  }
0x9: {  	s1 =	rddreg [dreg:$0x2];
	_ =	strace $0x80000047  }
0xa: {  	s5 =	ssub.s32 $0x2, s3  }
0xb: {  	s3 =	sadd.s32 $0x2A00, s4;
	s7 =	simm.s32 $0x1;
	s6 =	sshrl.u32 s5, $0x1  }
0xc: {  	s8 =	simm.s32 $0xE380;
	s9 =	simm.s32 $0x0;
	s31 =	ssub.s32 s5, s6  }
0xd: {  	v0 =	vlaneseq.u32;
	v1 =	vimm.s32 $0x0;
	s5 =	simm.s32 $0x0;
	s6 =	simm.s32 $0xC380;
	s4 =	smax.u32 s31, $0x1  }
.LBB2_2:
0xe: {  	[tilespmem:s6], [sflag:$0x1] =	stream.linear.gather [hbm4b:s2+s5], $0x2000, $0x38;
	[tilespmem:$0x10380] =	vst v63  }
0xf: {  	_ =	swait.ge [sflag:s7], $0x2000  }
0x10: {  	s11 =	simm.s32 $0xFFFFFFFC;
	[sflag:s7] =	ssyncset.done $0x0  }
0x11: {  	s12 =	simm.s32 $0xC3A0;
	s13 =	simm.s32 $0x0;
	[sflag:s7] =	ssyncadd.s32 $0xFFFFE000  }
.LBB2_3:
0x12: {  	v2 =	vld [tilespmem:s12+$0xFFFFFFE0];
	_ =	sdelay $0x6  }
0x13: {  	v3 =	vor.u32 s13, v0;
	s10 =	simm.s32 $0x0  }
0x14: {  	[tilespmem:v2+s10+$0x0] =	vst.idx.msk $0xffff, v3  }
0x15: {  	v2 =	vld [tilespmem:s12+$0xFFFFFFF0];
	_ =	sdelay $0x5  }
0x16: {  	s14 =	sadd.s32 $0x10, s13  }
0x17: {  	v3 =	vor.u32 s14, v0  }
0x18: {  	[tilespmem:v2+s10+$0x0] =	vst.idx.msk $0xffff, v3  }
0x19: {  	v2 =	vld [tilespmem:s12+$0x0];
	_ =	sdelay $0x5  }
0x1a: {  	s30 =	sadd.s32 $0x20, s13  }
0x1b: {  	v3 =	vor.u32 s30, v0  }
0x1c: {  	[tilespmem:v2+s10+$0x0] =	vst.idx.msk $0xffff, v3  }
0x1d: {  	v2 =	vld [tilespmem:s12+$0x10];
	_ =	sdelay $0x1  }
0x1e: {  	s11 =	sadd.s32 $0x4, s11  }
0x1f: {  	p0 =	slt.u32 s11, $0x1FC  }
.Ltmp1:
0x20: {  	_ = 	snop;
	(pc) =	sbr.rel @p0 .LBB2_3-.Ltmp1, $4  }
0x21: {  	_ = 	snop  }
0x22: {  	s31 =	sadd.s32 $0x30, s13  }
0x23: {  	v3 =	vor.u32 s31, v0  }
0x24: {  	s13 =	sadd.s32 $0x40, s13;
	s12 =	sadd.s32 $0x40, s12;
	[tilespmem:v2+s10+$0x0] =	vst.idx.msk $0xffff, v3;
	v2 =	vimm.s32 $0x0  }
.LBB2_4:
0x25: {  	s11 =	sshll.u32 s10, $0x4  }
0x26: {  	v3 =	vld [tilespmem:s11+$0xC380];
	_ =	sdelay $0x7  }
0x27: {  	v4 =	vld.idx.msk [tilespmem:v3+s5+$0x0], $0xffff;
	_ =	sdelay $0x3  }
0x28: {  	v5 =	vor.u32 s11, v0  }
0x29: {  	vm0 =	vgt.s32 v5, v4  }
0x2a: {  	s10 =	sadd.s32 $0x1, s10;
	v4 =	vsel vm0, $0x1, v1  }
0x2b: {  	p0 =	sne.s32 s10, $0x200;
	v2 =	vor.u32 v4, v2  }
0x2c: {  	v4 =	vxor.u32 @!p0 $0x80000000, v2  }
0x2d: {  	(xrf0) =	vmax.scan.msk.u32 @!p0 $0xffff, v4;
	_ =	sdelay $0x5  }
0x2e: {  	v4, _, _ =	vpop @!p0 (xrf0)  }
0x2f: {  	(v2sf) =	vpush @!p0 v4, $0xF;
	_ =	sdelay $0xe  }
0x30: {  	s11 =	spop @!p0 (v2sf)  }
0x31: {  	p1 =	sgt.u32 @!p0 s11, $0x80000000  }
0x32: {  	p1 =	por p0, p1  }
.Ltmp2:
0x33: {  	_ = 	snop;
	(pc) =	sbr.rel @p1 .LBB2_4-.Ltmp2, $3  }
0x34: {  	_ =	sdelay $0x1  }
0x35: {  	s12 =	simm.s32 @!p0 $0xE3A0  }
0x36: {  	s13 =	simm.s32 @!p0 $0xC3A0;
	s10 =	simm.s32 @!p0 $0x0;
	v2 =	vpsel !p0, $0x0, v2;
	[tilespmem:v3+s5+$0x0] =	vst.idx.msk vm0, v5;
	s11 =	simm.s32 @!p0 $0xFFFFFFFC  }
.LBB2_5:
0x37: {  	v2 =	vld [tilespmem:s13+$0xFFFFFFE0];
	_ =	sdelay $0x7  }
0x38: {  	v2 =	vld.idx.msk [tilespmem:v2+s5+$0x0], $0xffff;
	_ =	sdelay $0x4  }
0x39: {  	[tilespmem:s12+$0xFFFFFFE0] =	vst v2  }
0x3a: {  	v2 =	vld [tilespmem:s13+$0xFFFFFFF0];
	_ =	sdelay $0x7  }
0x3b: {  	v2 =	vld.idx.msk [tilespmem:v2+s5+$0x0], $0xffff;
	_ =	sdelay $0x4  }
0x3c: {  	[tilespmem:s12+$0xFFFFFFF0] =	vst v2  }
0x3d: {  	v2 =	vld [tilespmem:s13+$0x0];
	_ =	sdelay $0x7  }
0x3e: {  	v2 =	vld.idx.msk [tilespmem:v2+s5+$0x0], $0xffff;
	_ =	sdelay $0x4  }
0x3f: {  	[tilespmem:s12+$0x0] =	vst v2  }
0x40: {  	v2 =	vld [tilespmem:s13+$0x10];
	_ =	sdelay $0x6  }
0x41: {  	s11 =	sadd.s32 $0x4, s11  }
0x42: {  	p0 =	slt.u32 s11, $0x1FC;
	v2 =	vld.idx.msk [tilespmem:v2+s5+$0x0], $0xffff  }
.Ltmp3:
0x43: {  	_ = 	snop;
	(pc) =	sbr.rel @p0 .LBB2_5-.Ltmp3, $2  }
0x44: {  	_ =	sdelay $0x2  }
0x45: {  	s13 =	sadd.s32 $0x40, s13;
	[tilespmem:s12+$0x10] =	vst v2;
	s12 =	sadd.s32 $0x40, s12  }
0x46: {  	s9 =	sadd.s32 $0x1, s9  }
0x47: {  	p0 =	sne.s32 s9, s4  }
.Ltmp4:
0x48: {  	_ = 	snop;
	(pc) =	sbr.rel @p0 .LBB2_2-.Ltmp4, $4  }
0x49: {  	[hbm4b:s3+s5] =	stream.linear.scatter [tilespmem:s8], [sflag:$0x1], $0x2000, $0x38;
	[tilespmem:$0x10380] =	vst v63  }
0x4a: {  	_ =	swait.ge [sflag:s7], $0x2000  }
0x4b: {  	[sflag:s7] =	ssyncset.done $0x0  }
0x4c: {  	[sflag:s7] =	ssyncadd.s32 $0xFFFFE000  }
.LBB2_7:
0x4d: {  	_ =	sfence.sel $0x180000  }
0x4e: {  	[bflag:$0x0] =	sbarrier.arrive $0xFFFF  }
0x4f: {  	p0 =	sne.s32 s0, $0x0;
	_ =	strace $0x90000047  }
0x50: {  	s0 =	sadd.s32 @!p0 $0x100000, s1;
	[bflag:$0x2] =	sbarrier.arrive $0xFFFF  }
0x51: {  	[sflag:s0] =	ssyncadd.tile.s32 @!p0 $0x1;
	_ =	shalt  }
.Lfunc_end2:
_tile_overlayer_lowered:
.L_overlay_start_2:
0x52: {  	(tag) =	ssettag $0x2  }
0x53: {  	s0 =	rddreg [dreg:$0x0];
	s2 =	stileid.u32  }
0x54: {  	s1 =	rddreg [dreg:$0x1];
	p0 =	sne.s32 s2, $0x0  }
0x55: {  	s3 =	rddreg [dreg:$0x2];
	[bflag:$0x3] =	sbarrier.arrive $0xFFFF;
	s2 =	simm.s32 @!p0 $0x1C01  }
0x56: {  	[timem:s3], [sflag:s2] =	dma.local @!p0 [hbm:s0], s1  }
0x57: {  	s0 =	simm.s32 @!p0 $0x1  }
0x58: {  	_ =	swait.ge @!p0 [sflag:s0], s1  }
0x59: {  	s1 =	ssub.s32 @!p0 $0x0, s1;
	[sflag:s0] =	ssyncset.done @!p0 $0x0  }
0x5a: {  	[sflag:s0] =	ssyncadd.s32 @!p0 s1  }
0x5b: {  	[bflag:$0x3] =	sbarrier.arrive $0xFFFF  }
0x5c: {  	_ =	shalt  }

</sc_bundles>
